<compile_context>
chip_gen: v7x
topology: tpu7x:2x2x1
jax: 0.10.2.dev20260603
libtpu: 0.0.44.dev20260713+nightly
codegen_flags: <defaults>
</compile_context>

<pallas_src>
import functools

import jax
import jax.numpy as jnp
from jax import lax
from jax.experimental import pallas as pl
from jax.experimental.pallas import tpu as pltpu
from jax.experimental.pallas import tpu_sc as plsc

BATCH = 1024
SEQ = 200
DIM = 300
TOTAL = BATCH * SEQ
LANES = 128
TAIL = DIM - 2 * LANES
WIDTH = 3 * LANES

CHUNK = 64
NGROUP = CHUNK // 8
NBUF = 4


@functools.lru_cache(maxsize=None)
def _build(total):
    info = plsc.get_sparse_core_info()
    nw = info.num_cores * info.num_subcores
    b_per_w = total // nw
    n_chunks = b_per_w // CHUNK
    assert n_chunks % NBUF == 0
    mesh = plsc.VectorSubcoreMesh(core_axis_name="c", subcore_axis_name="s")

    @functools.partial(
        pl.kernel,
        mesh=mesh,
        out_type=jax.ShapeDtypeStruct((total // 8, 8, WIDTH), jnp.float32),
        scratch_types=[
            pltpu.VMEM((b_per_w,), jnp.int32),
            *[pltpu.VMEM((CHUNK, WIDTH), jnp.float32) for _ in range(NBUF)],
            *[pltpu.SemaphoreType.DMA for _ in range(2 * NBUF)],
        ],
    )
    def gather_kernel(idx_hbm, table_hbm, aux_hbm, out_hbm, idx_all,
                      *bufs_sems):
        bufs = bufs_sems[:NBUF]
        gsems = bufs_sems[NBUF:2 * NBUF]
        osems = bufs_sems[2 * NBUF:]
        wid = lax.axis_index("s") * info.num_cores + lax.axis_index("c")
        wbase = wid * b_per_w
        wg = wbase // 8

        pltpu.sync_copy(idx_hbm.at[pl.ds(wbase, b_per_w)], idx_all)

        def start_gathers(i, b):
            sl = idx_all.at[pl.ds(i * CHUNK, CHUNK)]
            m = bufs[b]
            pltpu.async_copy(
                table_hbm.at[plsc.Indices(sl), pl.ds(0, LANES)],
                m.at[:, pl.ds(0, LANES)], gsems[b])
            pltpu.async_copy(
                table_hbm.at[plsc.Indices(sl), pl.ds(LANES, LANES)],
                m.at[:, pl.ds(LANES, LANES)], gsems[b])
            pltpu.async_copy(
                aux_hbm.at[plsc.Indices(sl)],
                m.at[:, pl.ds(2 * LANES, LANES)], gsems[b])

        def wait_gathers(i, b):
            sl = idx_all.at[pl.ds(i * CHUNK, CHUNK)]
            m = bufs[b]
            pltpu.make_async_copy(
                table_hbm.at[plsc.Indices(sl), pl.ds(0, LANES)],
                m.at[:, pl.ds(0, LANES)], gsems[b]).wait()
            pltpu.make_async_copy(
                table_hbm.at[plsc.Indices(sl), pl.ds(LANES, LANES)],
                m.at[:, pl.ds(LANES, LANES)], gsems[b]).wait()
            pltpu.make_async_copy(
                aux_hbm.at[plsc.Indices(sl)],
                m.at[:, pl.ds(2 * LANES, LANES)], gsems[b]).wait()

        def issue_tile_writes(i, b):
            def group_body(g, carry):
                pltpu.async_copy(
                    bufs[b].at[pl.ds(8 * g, 8)],
                    out_hbm.at[wg + i * NGROUP + g], osems[b])
                return carry

            lax.fori_loop(0, NGROUP, group_body, 0)

        def wait_tile_writes(i, b):
            def group_body(g, carry):
                pltpu.make_async_copy(
                    bufs[b].at[pl.ds(8 * g, 8)],
                    out_hbm.at[wg + i * NGROUP + g], osems[b]).wait()
                return carry

            lax.fori_loop(0, NGROUP, group_body, 0)

        for j in range(NBUF - 1):
            start_gathers(j, j)

        def outer(g, carry):
            for b in range(NBUF):
                i = NBUF * g + b
                wait_gathers(i, b)
                issue_tile_writes(i, b)
                nb = (b + NBUF - 1) % NBUF

                @pl.when(i + NBUF - 1 < n_chunks)
                def _():
                    @pl.when(i >= 1)
                    def _():
                        wait_tile_writes(i - 1, nb)

                    start_gathers(i + NBUF - 1, nb)
            return carry

        lax.fori_loop(0, n_chunks // NBUF, outer, 0)

        for j in range(NBUF):
            i = n_chunks - NBUF + j
            wait_tile_writes(i, i % NBUF)

    return gather_kernel


def kernel(x, word_vectors):
    idx = x.reshape(-1).astype(jnp.int32)
    aux = jnp.pad(word_vectors[:, 2 * LANES:], ((0, 0), (0, LANES - TAIL)))
    out = _build(TOTAL)(idx, word_vectors, aux)
    return out[:, :, :DIM].reshape(BATCH, SEQ, DIM)

# --- scband reference (transcript-rebuilt; emitter-appended) ---
"""Pipeline reference for scband-word-embedding-18545668784214 (READ-ONLY COPY).

The authoritative reference and input builder live on the scoring server;
editing this copy changes nothing except your own understanding.
"""

import jax, jax.numpy as jnp
import numpy as np

VOCAB = 88714
DIM = 300
BATCH = 1024
SEQ = 200


def setup_inputs(seed: int = 0) -> dict:
    key = jax.random.key(seed)
    k1, k2 = jax.random.split(key)
    x = jax.random.randint(k1, (BATCH, SEQ), 0, VOCAB, dtype=jnp.int64 if jax.config.jax_enable_x64 else jnp.int32)
    word_vectors = jax.random.normal(k2, (VOCAB, DIM), dtype=jnp.float32)
    return {"x": x, "word_vectors": word_vectors}


def reference(x, word_vectors):
    # nn.Embedding.from_pretrained -> gather rows of the pretrained table
    emb = jnp.take(word_vectors, x, axis=0)  # (batch, seq_len, word_dim)
    # Dropout with drop_prob=0.0 (eval / p=0) is the identity
    return emb

if __name__ == "__main__":
    import jax
    _d = setup_inputs()
    print(jax.jit(kernel)(*tuple(_d.values())))

</pallas_src>

<mosaic_0001>
#map = affine_map<(d0, d1) -> (0)>
#map1 = affine_map<(d0, d1) -> (0, 0)>
#map2 = affine_map<(d0, d1) -> (0, 0, 0)>
module attributes {stable_mosaic.version = 14 : i64} {
  func.func @gather_kernel(%arg0: i32, %arg1: i32, %arg2: memref<204800xi32, #tpu.memory_space<hbm>>, %arg3: memref<88714x300xf32, #tpu.memory_space<hbm>>, %arg4: memref<88714x128xf32, #tpu.memory_space<hbm>>, %arg5: memref<25600x8x384xf32, #tpu.memory_space<hbm>>, %arg6: memref<6400xi32, #tpu.memory_space<vmem>>, %arg7: memref<64x384xf32, #tpu.memory_space<vmem>>, %arg8: memref<64x384xf32, #tpu.memory_space<vmem>>, %arg9: memref<64x384xf32, #tpu.memory_space<vmem>>, %arg10: memref<64x384xf32, #tpu.memory_space<vmem>>, %arg11: memref<!tpu.dma_semaphore, #tpu.memory_space<semaphore_mem>>, %arg12: memref<!tpu.dma_semaphore, #tpu.memory_space<semaphore_mem>>, %arg13: memref<!tpu.dma_semaphore, #tpu.memory_space<semaphore_mem>>, %arg14: memref<!tpu.dma_semaphore, #tpu.memory_space<semaphore_mem>>, %arg15: memref<!tpu.dma_semaphore, #tpu.memory_space<semaphore_mem>>, %arg16: memref<!tpu.dma_semaphore, #tpu.memory_space<semaphore_mem>>, %arg17: memref<!tpu.dma_semaphore, #tpu.memory_space<semaphore_mem>>, %arg18: memref<!tpu.dma_semaphore, #tpu.memory_space<semaphore_mem>>) attributes {dimension_semantics = [#tpu.dimension_semantics<core_parallel>, #tpu.dimension_semantics<subcore_parallel>], iteration_bounds = array<i64: 2, 16>, scalar_prefetch = 0 : i64, scratch_operands = 13 : i64, tpu.core_type = #tpu.core_type<sc_vector_subcore>, window_params = [{transform_indices = #map}, {transform_indices = #map1}, {transform_indices = #map1}, {transform_indices = #map2}]} {
    %mul3A = arith.constant 2 : i32
    %mul3A_0 = arith.muli %arg1, %mul3A : i32
    %add3A = arith.addi %mul3A_0, %arg0 : i32
    %mul3A_1 = arith.constant 6400 : i32
    %mul3A_2 = arith.muli %add3A, %mul3A_1 : i32
    %jit3A = arith.constant 8 : i32
    %div3A = arith.divsi %mul3A_2, %jit3A : i32
    %sign3A = arith.constant 0 : i32
    %sign3A_3 = arith.cmpi sgt, %mul3A_2, %sign3A : i32
    %sign3A_4 = arith.extui %sign3A_3 : i1 to i32
    %sign3A_5 = arith.constant 0 : i32
    %sign3A_6 = arith.cmpi slt, %mul3A_2, %sign3A_5 : i32
    %sign3A_7 = arith.extui %sign3A_6 : i1 to i32
    %sign3A_8 = arith.subi %sign3A_4, %sign3A_7 : i32
    %sign3A_9 = arith.constant 0 : i32
    %sign3A_10 = arith.cmpi sgt, %jit3A, %sign3A_9 : i32
    %sign3A_11 = arith.extui %sign3A_10 : i1 to i32
    %sign3A_12 = arith.constant 0 : i32
    %sign3A_13 = arith.cmpi slt, %jit3A, %sign3A_12 : i32
    %sign3A_14 = arith.extui %sign3A_13 : i1 to i32
    %sign3A_15 = arith.subi %sign3A_11, %sign3A_14 : i32
    %ne3A = arith.cmpi ne, %sign3A_8, %sign3A_15 : i32
    %rem3A = arith.remsi %mul3A_2, %jit3A : i32
    %ne3A_16 = arith.constant 0 : i32
    %ne3A_17 = arith.cmpi ne, %rem3A, %ne3A_16 : i32
    %and3A = arith.andi %ne3A, %ne3A_17 : i1
    %sub3A = arith.constant 1 : i32
    %sub3A_18 = arith.subi %div3A, %sub3A : i32
    %select_n3A = arith.select %and3A, %sub3A_18, %div3A : i32
    "tpu.region"() ({
      %run_scoped3A = tpu.sem_alloc : memref<!tpu.dma_semaphore, #tpu.memory_space<semaphore_mem>>
      %dma_start3A_119 = tpu.memref_slice %arg2[%mul3A_2] : memref<204800xi32, #tpu.memory_space<hbm>> -> memref<6400xi32, #tpu.memory_space<hbm>>
      %dma_start3A_120 = tpu.memref_slice %arg2[%mul3A_2] : memref<204800xi32, #tpu.memory_space<hbm>> -> memref<6400xi32, #tpu.memory_space<hbm>>
      tpu.enqueue_dma source(%dma_start3A_120 : memref<6400xi32, #tpu.memory_space<hbm>>) target(%arg6 : memref<6400xi32, #tpu.memory_space<vmem>>) target_semaphore(%run_scoped3A : memref<!tpu.dma_semaphore, #tpu.memory_space<semaphore_mem>>)
      %dma_wait3A = tpu.memref_slice %arg2[%mul3A_2] : memref<204800xi32, #tpu.memory_space<hbm>> -> memref<6400xi32, #tpu.memory_space<hbm>>
      %dma_wait3A_121 = tpu.memref_slice %arg2[%mul3A_2] : memref<204800xi32, #tpu.memory_space<hbm>> -> memref<6400xi32, #tpu.memory_space<hbm>>
      tpu.wait_dma2 semaphore(%run_scoped3A : memref<!tpu.dma_semaphore, #tpu.memory_space<semaphore_mem>>) src(%dma_wait3A_121 : memref<6400xi32, #tpu.memory_space<hbm>>) dst(%arg6 : memref<6400xi32, #tpu.memory_space<vmem>>)
      tpu.yield
    }) : () -> ()
    %dma_start3A = arith.constant 0 : i32
    %dma_start3A_19 = arith.constant 0 : i32
    %dma_start3A_20 = tpu.memref_slice %arg7[%dma_start3A, %dma_start3A_19] : memref<64x384xf32, #tpu.memory_space<vmem>> -> memref<64x128xf32, #tpu.memory_space<vmem>>
    %dma_start3A_21 = arith.constant 0 : i32
    %dma_start3A_22 = tpu.memref_slice %arg6[%dma_start3A_21] : memref<6400xi32, #tpu.memory_space<vmem>> -> memref<64xi32, #tpu.memory_space<vmem>>
    %dma_start3A_23 = arith.constant 0 : i32
    %dma_start3A_24 = arith.constant 0 : i32
    %dma_start3A_25 = tpu.memref_slice %arg3[%dma_start3A_23, %dma_start3A_24] : memref<88714x300xf32, #tpu.memory_space<hbm>> -> memref<88714x128xf32, #tpu.memory_space<hbm>>
    tpu.enqueue_indirect_dma source(%dma_start3A_25 : memref<88714x128xf32, #tpu.memory_space<hbm>>) target(%dma_start3A_20 : memref<64x128xf32, #tpu.memory_space<vmem>>) offsets(%dma_start3A_22 : memref<64xi32, #tpu.memory_space<vmem>>) semaphore(%arg11 : memref<!tpu.dma_semaphore, #tpu.memory_space<semaphore_mem>>)
    %dma_start3A_26 = arith.constant 0 : i32
    %dma_start3A_27 = arith.constant 128 : i32
    %dma_start3A_28 = tpu.memref_slice %arg7[%dma_start3A_26, %dma_start3A_27] : memref<64x384xf32, #tpu.memory_space<vmem>> -> memref<64x128xf32, #tpu.memory_space<vmem>>
    %dma_start3A_29 = arith.constant 0 : i32
    %dma_start3A_30 = tpu.memref_slice %arg6[%dma_start3A_29] : memref<6400xi32, #tpu.memory_space<vmem>> -> memref<64xi32, #tpu.memory_space<vmem>>
    %dma_start3A_31 = arith.constant 0 : i32
    %dma_start3A_32 = arith.constant 128 : i32
    %dma_start3A_33 = tpu.memref_slice %arg3[%dma_start3A_31, %dma_start3A_32] : memref<88714x300xf32, #tpu.memory_space<hbm>> -> memref<88714x128xf32, #tpu.memory_space<hbm>>
    tpu.enqueue_indirect_dma source(%dma_start3A_33 : memref<88714x128xf32, #tpu.memory_space<hbm>>) target(%dma_start3A_28 : memref<64x128xf32, #tpu.memory_space<vmem>>) offsets(%dma_start3A_30 : memref<64xi32, #tpu.memory_space<vmem>>) semaphore(%arg11 : memref<!tpu.dma_semaphore, #tpu.memory_space<semaphore_mem>>)
    %dma_start3A_34 = arith.constant 0 : i32
    %dma_start3A_35 = arith.constant 256 : i32
    %dma_start3A_36 = tpu.memref_slice %arg7[%dma_start3A_34, %dma_start3A_35] : memref<64x384xf32, #tpu.memory_space<vmem>> -> memref<64x128xf32, #tpu.memory_space<vmem>>
    %dma_start3A_37 = arith.constant 0 : i32
    %dma_start3A_38 = tpu.memref_slice %arg6[%dma_start3A_37] : memref<6400xi32, #tpu.memory_space<vmem>> -> memref<64xi32, #tpu.memory_space<vmem>>
    %dma_start3A_39 = arith.constant 0 : i32
    %dma_start3A_40 = arith.constant 0 : i32
    %dma_start3A_41 = tpu.memref_slice %arg4[%dma_start3A_39, %dma_start3A_40] : memref<88714x128xf32, #tpu.memory_space<hbm>> -> memref<88714x128xf32, #tpu.memory_space<hbm>>
    tpu.enqueue_indirect_dma source(%dma_start3A_41 : memref<88714x128xf32, #tpu.memory_space<hbm>>) target(%dma_start3A_36 : memref<64x128xf32, #tpu.memory_space<vmem>>) offsets(%dma_start3A_38 : memref<64xi32, #tpu.memory_space<vmem>>) semaphore(%arg11 : memref<!tpu.dma_semaphore, #tpu.memory_space<semaphore_mem>>)
    %dma_start3A_42 = arith.constant 0 : i32
    %dma_start3A_43 = arith.constant 0 : i32
    %dma_start3A_44 = tpu.memref_slice %arg8[%dma_start3A_42, %dma_start3A_43] : memref<64x384xf32, #tpu.memory_space<vmem>> -> memref<64x128xf32, #tpu.memory_space<vmem>>
    %dma_start3A_45 = arith.constant 64 : i32
    %dma_start3A_46 = tpu.memref_slice %arg6[%dma_start3A_45] : memref<6400xi32, #tpu.memory_space<vmem>> -> memref<64xi32, #tpu.memory_space<vmem>>
    %dma_start3A_47 = arith.constant 0 : i32
    %dma_start3A_48 = arith.constant 0 : i32
    %dma_start3A_49 = tpu.memref_slice %arg3[%dma_start3A_47, %dma_start3A_48] : memref<88714x300xf32, #tpu.memory_space<hbm>> -> memref<88714x128xf32, #tpu.memory_space<hbm>>
    tpu.enqueue_indirect_dma source(%dma_start3A_49 : memref<88714x128xf32, #tpu.memory_space<hbm>>) target(%dma_start3A_44 : memref<64x128xf32, #tpu.memory_space<vmem>>) offsets(%dma_start3A_46 : memref<64xi32, #tpu.memory_space<vmem>>) semaphore(%arg12 : memref<!tpu.dma_semaphore, #tpu.memory_space<semaphore_mem>>)
    %dma_start3A_50 = arith.constant 0 : i32
    %dma_start3A_51 = arith.constant 128 : i32
    %dma_start3A_52 = tpu.memref_slice %arg8[%dma_start3A_50, %dma_start3A_51] : memref<64x384xf32, #tpu.memory_space<vmem>> -> memref<64x128xf32, #tpu.memory_space<vmem>>
    %dma_start3A_53 = arith.constant 64 : i32
    %dma_start3A_54 = tpu.memref_slice %arg6[%dma_start3A_53] : memref<6400xi32, #tpu.memory_space<vmem>> -> memref<64xi32, #tpu.memory_space<vmem>>
    %dma_start3A_55 = arith.constant 0 : i32
    %dma_start3A_56 = arith.constant 128 : i32
    %dma_start3A_57 = tpu.memref_slice %arg3[%dma_start3A_55, %dma_start3A_56] : memref<88714x300xf32, #tpu.memory_space<hbm>> -> memref<88714x128xf32, #tpu.memory_space<hbm>>
    tpu.enqueue_indirect_dma source(%dma_start3A_57 : memref<88714x128xf32, #tpu.memory_space<hbm>>) target(%dma_start3A_52 : memref<64x128xf32, #tpu.memory_space<vmem>>) offsets(%dma_start3A_54 : memref<64xi32, #tpu.memory_space<vmem>>) semaphore(%arg12 : memref<!tpu.dma_semaphore, #tpu.memory_space<semaphore_mem>>)
    %dma_start3A_58 = arith.constant 0 : i32
    %dma_start3A_59 = arith.constant 256 : i32
    %dma_start3A_60 = tpu.memref_slice %arg8[%dma_start3A_58, %dma_start3A_59] : memref<64x384xf32, #tpu.memory_space<vmem>> -> memref<64x128xf32, #tpu.memory_space<vmem>>
    %dma_start3A_61 = arith.constant 64 : i32
    %dma_start3A_62 = tpu.memref_slice %arg6[%dma_start3A_61] : memref<6400xi32, #tpu.memory_space<vmem>> -> memref<64xi32, #tpu.memory_space<vmem>>
    %dma_start3A_63 = arith.constant 0 : i32
    %dma_start3A_64 = arith.constant 0 : i32
    %dma_start3A_65 = tpu.memref_slice %arg4[%dma_start3A_63, %dma_start3A_64] : memref<88714x128xf32, #tpu.memory_space<hbm>> -> memref<88714x128xf32, #tpu.memory_space<hbm>>
    tpu.enqueue_indirect_dma source(%dma_start3A_65 : memref<88714x128xf32, #tpu.memory_space<hbm>>) target(%dma_start3A_60 : memref<64x128xf32, #tpu.memory_space<vmem>>) offsets(%dma_start3A_62 : memref<64xi32, #tpu.memory_space<vmem>>) semaphore(%arg12 : memref<!tpu.dma_semaphore, #tpu.memory_space<semaphore_mem>>)
    %dma_start3A_66 = arith.constant 0 : i32
    %dma_start3A_67 = arith.constant 0 : i32
    %dma_start3A_68 = tpu.memref_slice %arg9[%dma_start3A_66, %dma_start3A_67] : memref<64x384xf32, #tpu.memory_space<vmem>> -> memref<64x128xf32, #tpu.memory_space<vmem>>
    %dma_start3A_69 = arith.constant 128 : i32
    %dma_start3A_70 = tpu.memref_slice %arg6[%dma_start3A_69] : memref<6400xi32, #tpu.memory_space<vmem>> -> memref<64xi32, #tpu.memory_space<vmem>>
    %dma_start3A_71 = arith.constant 0 : i32
    %dma_start3A_72 = arith.constant 0 : i32
    %dma_start3A_73 = tpu.memref_slice %arg3[%dma_start3A_71, %dma_start3A_72] : memref<88714x300xf32, #tpu.memory_space<hbm>> -> memref<88714x128xf32, #tpu.memory_space<hbm>>
    tpu.enqueue_indirect_dma source(%dma_start3A_73 : memref<88714x128xf32, #tpu.memory_space<hbm>>) target(%dma_start3A_68 : memref<64x128xf32, #tpu.memory_space<vmem>>) offsets(%dma_start3A_70 : memref<64xi32, #tpu.memory_space<vmem>>) semaphore(%arg13 : memref<!tpu.dma_semaphore, #tpu.memory_space<semaphore_mem>>)
    %dma_start3A_74 = arith.constant 0 : i32
    %dma_start3A_75 = arith.constant 128 : i32
    %dma_start3A_76 = tpu.memref_slice %arg9[%dma_start3A_74, %dma_start3A_75] : memref<64x384xf32, #tpu.memory_space<vmem>> -> memref<64x128xf32, #tpu.memory_space<vmem>>
    %dma_start3A_77 = arith.constant 128 : i32
    %dma_start3A_78 = tpu.memref_slice %arg6[%dma_start3A_77] : memref<6400xi32, #tpu.memory_space<vmem>> -> memref<64xi32, #tpu.memory_space<vmem>>
    %dma_start3A_79 = arith.constant 0 : i32
    %dma_start3A_80 = arith.constant 128 : i32
    %dma_start3A_81 = tpu.memref_slice %arg3[%dma_start3A_79, %dma_start3A_80] : memref<88714x300xf32, #tpu.memory_space<hbm>> -> memref<88714x128xf32, #tpu.memory_space<hbm>>
    tpu.enqueue_indirect_dma source(%dma_start3A_81 : memref<88714x128xf32, #tpu.memory_space<hbm>>) target(%dma_start3A_76 : memref<64x128xf32, #tpu.memory_space<vmem>>) offsets(%dma_start3A_78 : memref<64xi32, #tpu.memory_space<vmem>>) semaphore(%arg13 : memref<!tpu.dma_semaphore, #tpu.memory_space<semaphore_mem>>)
    %dma_start3A_82 = arith.constant 0 : i32
    %dma_start3A_83 = arith.constant 256 : i32
    %dma_start3A_84 = tpu.memref_slice %arg9[%dma_start3A_82, %dma_start3A_83] : memref<64x384xf32, #tpu.memory_space<vmem>> -> memref<64x128xf32, #tpu.memory_space<vmem>>
    %dma_start3A_85 = arith.constant 128 : i32
    %dma_start3A_86 = tpu.memref_slice %arg6[%dma_start3A_85] : memref<6400xi32, #tpu.memory_space<vmem>> -> memref<64xi32, #tpu.memory_space<vmem>>
    %dma_start3A_87 = arith.constant 0 : i32
    %dma_start3A_88 = arith.constant 0 : i32
    %dma_start3A_89 = tpu.memref_slice %arg4[%dma_start3A_87, %dma_start3A_88] : memref<88714x128xf32, #tpu.memory_space<hbm>> -> memref<88714x128xf32, #tpu.memory_space<hbm>>
    tpu.enqueue_indirect_dma source(%dma_start3A_89 : memref<88714x128xf32, #tpu.memory_space<hbm>>) target(%dma_start3A_84 : memref<64x128xf32, #tpu.memory_space<vmem>>) offsets(%dma_start3A_86 : memref<64xi32, #tpu.memory_space<vmem>>) semaphore(%arg13 : memref<!tpu.dma_semaphore, #tpu.memory_space<semaphore_mem>>)
    %scan3A = arith.constant 0 : i32
    %scan3A_90 = arith.constant 0 : i32
    %scan3A_91 = arith.constant 25 : i32
    %scan3A_92 = arith.addi %scan3A_90, %scan3A_91 : i32
    %scan3A_93 = arith.constant 1 : i32
    scf.for %scan3A_119 = %scan3A_90 to %scan3A_92 step %scan3A_93  : i32 {
      %mul3A_120 = arith.constant 4 : i32
      %mul3A_121 = arith.muli %mul3A_120, %scan3A_119 : i32
      %add3A_122 = arith.constant 0 : i32
      %add3A_123 = arith.addi %mul3A_121, %add3A_122 : i32
      %mul3A_124 = arith.constant 64 : i32
      %mul3A_125 = arith.muli %add3A_123, %mul3A_124 : i32
      %dma_wait3A = arith.constant 0 : i32
      %dma_wait3A_126 = arith.constant 0 : i32
      %dma_wait3A_127 = tpu.memref_slice %arg7[%dma_wait3A, %dma_wait3A_126] : memref<64x384xf32, #tpu.memory_space<vmem>> -> memref<64x128xf32, #tpu.memory_space<vmem>>
      %dma_wait3A_128 = tpu.memref_slice %arg6[%mul3A_125] : memref<6400xi32, #tpu.memory_space<vmem>> -> memref<64xi32, #tpu.memory_space<vmem>>
      %dma_wait3A_129 = arith.constant 0 : i32
      %dma_wait3A_130 = arith.constant 0 : i32
      %dma_wait3A_131 = tpu.memref_slice %arg3[%dma_wait3A_129, %dma_wait3A_130] : memref<88714x300xf32, #tpu.memory_space<hbm>> -> memref<88714x128xf32, #tpu.memory_space<hbm>>
      tpu.wait_indirect_dma semaphore(%arg11 : memref<!tpu.dma_semaphore, #tpu.memory_space<semaphore_mem>>) src(%dma_wait3A_131 : memref<88714x128xf32, #tpu.memory_space<hbm>>) dst(%dma_wait3A_127 : memref<64x128xf32, #tpu.memory_space<vmem>>)
      %dma_wait3A_132 = arith.constant 0 : i32
      %dma_wait3A_133 = arith.constant 128 : i32
      %dma_wait3A_134 = tpu.memref_slice %arg7[%dma_wait3A_132, %dma_wait3A_133] : memref<64x384xf32, #tpu.memory_space<vmem>> -> memref<64x128xf32, #tpu.memory_space<vmem>>
      %dma_wait3A_135 = tpu.memref_slice %arg6[%mul3A_125] : memref<6400xi32, #tpu.memory_space<vmem>> -> memref<64xi32, #tpu.memory_space<vmem>>
      %dma_wait3A_136 = arith.constant 0 : i32
      %dma_wait3A_137 = arith.constant 128 : i32
      %dma_wait3A_138 = tpu.memref_slice %arg3[%dma_wait3A_136, %dma_wait3A_137] : memref<88714x300xf32, #tpu.memory_space<hbm>> -> memref<88714x128xf32, #tpu.memory_space<hbm>>
      tpu.wait_indirect_dma semaphore(%arg11 : memref<!tpu.dma_semaphore, #tpu.memory_space<semaphore_mem>>) src(%dma_wait3A_138 : memref<88714x128xf32, #tpu.memory_space<hbm>>) dst(%dma_wait3A_134 : memref<64x128xf32, #tpu.memory_space<vmem>>)
      %dma_wait3A_139 = arith.constant 0 : i32
      %dma_wait3A_140 = arith.constant 256 : i32
      %dma_wait3A_141 = tpu.memref_slice %arg7[%dma_wait3A_139, %dma_wait3A_140] : memref<64x384xf32, #tpu.memory_space<vmem>> -> memref<64x128xf32, #tpu.memory_space<vmem>>
      %dma_wait3A_142 = tpu.memref_slice %arg6[%mul3A_125] : memref<6400xi32, #tpu.memory_space<vmem>> -> memref<64xi32, #tpu.memory_space<vmem>>
      %dma_wait3A_143 = arith.constant 0 : i32
      %dma_wait3A_144 = arith.constant 0 : i32
      %dma_wait3A_145 = tpu.memref_slice %arg4[%dma_wait3A_143, %dma_wait3A_144] : memref<88714x128xf32, #tpu.memory_space<hbm>> -> memref<88714x128xf32, #tpu.memory_space<hbm>>
      tpu.wait_indirect_dma semaphore(%arg11 : memref<!tpu.dma_semaphore, #tpu.memory_space<semaphore_mem>>) src(%dma_wait3A_145 : memref<88714x128xf32, #tpu.memory_space<hbm>>) dst(%dma_wait3A_141 : memref<64x128xf32, #tpu.memory_space<vmem>>)
      %scan3A_146 = arith.constant 0 : i32
      %scan3A_147 = arith.constant 0 : i32
      %scan3A_148 = arith.constant 8 : i32
      %scan3A_149 = arith.addi %scan3A_147, %scan3A_148 : i32
      %scan3A_150 = arith.constant 1 : i32
      scf.for %scan3A_284 = %scan3A_147 to %scan3A_149 step %scan3A_150  : i32 {
        %mul3A_285 = arith.constant 8 : i32
        %mul3A_286 = arith.muli %mul3A_285, %scan3A_284 : i32
        %mul3A_287 = arith.constant 8 : i32
        %mul3A_288 = arith.muli %add3A_123, %mul3A_287 : i32
        %add3A_289 = arith.addi %select_n3A, %mul3A_288 : i32
        %add3A_290 = arith.addi %add3A_289, %scan3A_284 : i32
        %dma_start3A_291 = arith.constant 0 : i32
        %dma_start3A_292 = tpu.memref_slice %arg7[%mul3A_286, %dma_start3A_291] : memref<64x384xf32, #tpu.memory_space<vmem>> -> memref<8x384xf32, #tpu.memory_space<vmem>>
        %dma_start3A_293 = arith.constant 0 : i32
        %dma_start3A_294 = arith.constant 0 : i32
        %dma_start3A_295 = tpu.memref_slice %arg5[%add3A_290, %dma_start3A_293, %dma_start3A_294] : memref<25600x8x384xf32, #tpu.memory_space<hbm>> -> memref<1x8x384xf32, #tpu.memory_space<hbm>>
        %dma_start3A_296 = tpu.memref_squeeze %dma_start3A_295 : memref<1x8x384xf32, #tpu.memory_space<hbm>> -> memref<8x384xf32, #tpu.memory_space<hbm>>
        %dma_start3A_297 = arith.constant 0 : i32
        %dma_start3A_298 = arith.constant 0 : i32
        %dma_start3A_299 = tpu.memref_slice %arg5[%add3A_290, %dma_start3A_297, %dma_start3A_298] : memref<25600x8x384xf32, #tpu.memory_space<hbm>> -> memref<1x8x384xf32, #tpu.memory_space<hbm>>
        %dma_start3A_300 = tpu.memref_squeeze %dma_start3A_299 : memref<1x8x384xf32, #tpu.memory_space<hbm>> -> memref<8x384xf32, #tpu.memory_space<hbm>>
        %dma_start3A_301 = arith.constant 0 : i32
        %dma_start3A_302 = tpu.memref_slice %arg7[%mul3A_286, %dma_start3A_301] : memref<64x384xf32, #tpu.memory_space<vmem>> -> memref<8x384xf32, #tpu.memory_space<vmem>>
        tpu.enqueue_dma source(%dma_start3A_302 : memref<8x384xf32, #tpu.memory_space<vmem>>) target(%dma_start3A_300 : memref<8x384xf32, #tpu.memory_space<hbm>>) target_semaphore(%arg15 : memref<!tpu.dma_semaphore, #tpu.memory_space<semaphore_mem>>)
      }
      %scan3A_151 = arith.constant 8 : i32
      %add3A_152 = arith.constant 4 : i32
      %add3A_153 = arith.addi %add3A_123, %add3A_152 : i32
      %sub3A_154 = arith.constant 1 : i32
      %sub3A_155 = arith.subi %add3A_153, %sub3A_154 : i32
      %lt3A = arith.constant 100 : i32
      %lt3A_156 = arith.cmpi slt, %sub3A_155, %lt3A : i32
      %convert_element_type3A = arith.extui %lt3A_156 : i1 to i32
      %cond3A = arith.constant 0 : i32
      %cond3A_157 = arith.cmpi ne, %convert_element_type3A, %cond3A : i32
      scf.if %cond3A_157 {
        %ge3A = arith.constant 1 : i32
        %ge3A_284 = arith.cmpi sge, %add3A_123, %ge3A : i32
        %convert_element_type3A_285 = arith.extui %ge3A_284 : i1 to i32
        %cond3A_286 = arith.constant 0 : i32
        %cond3A_287 = arith.cmpi ne, %convert_element_type3A_285, %cond3A_286 : i32
        scf.if %cond3A_287 {
          %sub3A_315 = arith.constant 1 : i32
          %sub3A_316 = arith.subi %add3A_123, %sub3A_315 : i32
          %scan3A_317 = arith.constant 0 : i32
          %scan3A_318 = arith.constant 0 : i32
          %scan3A_319 = arith.constant 8 : i32
          %scan3A_320 = arith.addi %scan3A_318, %scan3A_319 : i32
          %scan3A_321 = arith.constant 1 : i32
          scf.for %scan3A_323 = %scan3A_318 to %scan3A_320 step %scan3A_321  : i32 {
            %mul3A_324 = arith.constant 8 : i32
            %mul3A_325 = arith.muli %mul3A_324, %scan3A_323 : i32
            %mul3A_326 = arith.constant 8 : i32
            %mul3A_327 = arith.muli %sub3A_316, %mul3A_326 : i32
            %add3A_328 = arith.addi %select_n3A, %mul3A_327 : i32
            %add3A_329 = arith.addi %add3A_328, %scan3A_323 : i32
            %dma_wait3A_330 = arith.constant 0 : i32
            %dma_wait3A_331 = tpu.memref_slice %arg10[%mul3A_325, %dma_wait3A_330] : memref<64x384xf32, #tpu.memory_space<vmem>> -> memref<8x384xf32, #tpu.memory_space<vmem>>
            %dma_wait3A_332 = arith.constant 0 : i32
            %dma_wait3A_333 = arith.constant 0 : i32
            %dma_wait3A_334 = tpu.memref_slice %arg5[%add3A_329, %dma_wait3A_332, %dma_wait3A_333] : memref<25600x8x384xf32, #tpu.memory_space<hbm>> -> memref<1x8x384xf32, #tpu.memory_space<hbm>>
            %dma_wait3A_335 = tpu.memref_squeeze %dma_wait3A_334 : memref<1x8x384xf32, #tpu.memory_space<hbm>> -> memref<8x384xf32, #tpu.memory_space<hbm>>
            %dma_wait3A_336 = arith.constant 0 : i32
            %dma_wait3A_337 = arith.constant 0 : i32
            %dma_wait3A_338 = tpu.memref_slice %arg5[%add3A_329, %dma_wait3A_336, %dma_wait3A_337] : memref<25600x8x384xf32, #tpu.memory_space<hbm>> -> memref<1x8x384xf32, #tpu.memory_space<hbm>>
            %dma_wait3A_339 = tpu.memref_squeeze %dma_wait3A_338 : memref<1x8x384xf32, #tpu.memory_space<hbm>> -> memref<8x384xf32, #tpu.memory_space<hbm>>
            %dma_wait3A_340 = arith.constant 0 : i32
            %dma_wait3A_341 = tpu.memref_slice %arg10[%mul3A_325, %dma_wait3A_340] : memref<64x384xf32, #tpu.memory_space<vmem>> -> memref<8x384xf32, #tpu.memory_space<vmem>>
            tpu.wait_dma2 semaphore(%arg18 : memref<!tpu.dma_semaphore, #tpu.memory_space<semaphore_mem>>) src(%dma_wait3A_341 : memref<8x384xf32, #tpu.memory_space<vmem>>) dst(%dma_wait3A_339 : memref<8x384xf32, #tpu.memory_space<hbm>>)
          }
          %scan3A_322 = arith.constant 8 : i32
        } else {
        }
        %add3A_288 = arith.constant 4 : i32
        %add3A_289 = arith.addi %add3A_123, %add3A_288 : i32
        %sub3A_290 = arith.constant 1 : i32
        %sub3A_291 = arith.subi %add3A_289, %sub3A_290 : i32
        %mul3A_292 = arith.constant 64 : i32
        %mul3A_293 = arith.muli %sub3A_291, %mul3A_292 : i32
        %dma_start3A_294 = arith.constant 0 : i32
        %dma_start3A_295 = arith.constant 0 : i32
        %dma_start3A_296 = tpu.memref_slice %arg10[%dma_start3A_294, %dma_start3A_295] : memref<64x384xf32, #tpu.memory_space<vmem>> -> memref<64x128xf32, #tpu.memory_space<vmem>>
        %dma_start3A_297 = tpu.memref_slice %arg6[%mul3A_293] : memref<6400xi32, #tpu.memory_space<vmem>> -> memref<64xi32, #tpu.memory_space<vmem>>
        %dma_start3A_298 = arith.constant 0 : i32
        %dma_start3A_299 = arith.constant 0 : i32
        %dma_start3A_300 = tpu.memref_slice %arg3[%dma_start3A_298, %dma_start3A_299] : memref<88714x300xf32, #tpu.memory_space<hbm>> -> memref<88714x128xf32, #tpu.memory_space<hbm>>
        tpu.enqueue_indirect_dma source(%dma_start3A_300 : memref<88714x128xf32, #tpu.memory_space<hbm>>) target(%dma_start3A_296 : memref<64x128xf32, #tpu.memory_space<vmem>>) offsets(%dma_start3A_297 : memref<64xi32, #tpu.memory_space<vmem>>) semaphore(%arg14 : memref<!tpu.dma_semaphore, #tpu.memory_space<semaphore_mem>>)
        %dma_start3A_301 = arith.constant 0 : i32
        %dma_start3A_302 = arith.constant 128 : i32
        %dma_start3A_303 = tpu.memref_slice %arg10[%dma_start3A_301, %dma_start3A_302] : memref<64x384xf32, #tpu.memory_space<vmem>> -> memref<64x128xf32, #tpu.memory_space<vmem>>
        %dma_start3A_304 = tpu.memref_slice %arg6[%mul3A_293] : memref<6400xi32, #tpu.memory_space<vmem>> -> memref<64xi32, #tpu.memory_space<vmem>>
        %dma_start3A_305 = arith.constant 0 : i32
        %dma_start3A_306 = arith.constant 128 : i32
        %dma_start3A_307 = tpu.memref_slice %arg3[%dma_start3A_305, %dma_start3A_306] : memref<88714x300xf32, #tpu.memory_space<hbm>> -> memref<88714x128xf32, #tpu.memory_space<hbm>>
        tpu.enqueue_indirect_dma source(%dma_start3A_307 : memref<88714x128xf32, #tpu.memory_space<hbm>>) target(%dma_start3A_303 : memref<64x128xf32, #tpu.memory_space<vmem>>) offsets(%dma_start3A_304 : memref<64xi32, #tpu.memory_space<vmem>>) semaphore(%arg14 : memref<!tpu.dma_semaphore, #tpu.memory_space<semaphore_mem>>)
        %dma_start3A_308 = arith.constant 0 : i32
        %dma_start3A_309 = arith.constant 256 : i32
        %dma_start3A_310 = tpu.memref_slice %arg10[%dma_start3A_308, %dma_start3A_309] : memref<64x384xf32, #tpu.memory_space<vmem>> -> memref<64x128xf32, #tpu.memory_space<vmem>>
        %dma_start3A_311 = tpu.memref_slice %arg6[%mul3A_293] : memref<6400xi32, #tpu.memory_space<vmem>> -> memref<64xi32, #tpu.memory_space<vmem>>
        %dma_start3A_312 = arith.constant 0 : i32
        %dma_start3A_313 = arith.constant 0 : i32
        %dma_start3A_314 = tpu.memref_slice %arg4[%dma_start3A_312, %dma_start3A_313] : memref<88714x128xf32, #tpu.memory_space<hbm>> -> memref<88714x128xf32, #tpu.memory_space<hbm>>
        tpu.enqueue_indirect_dma source(%dma_start3A_314 : memref<88714x128xf32, #tpu.memory_space<hbm>>) target(%dma_start3A_310 : memref<64x128xf32, #tpu.memory_space<vmem>>) offsets(%dma_start3A_311 : memref<64xi32, #tpu.memory_space<vmem>>) semaphore(%arg14 : memref<!tpu.dma_semaphore, #tpu.memory_space<semaphore_mem>>)
      } else {
      }
      %mul3A_158 = arith.constant 4 : i32
      %mul3A_159 = arith.muli %mul3A_158, %scan3A_119 : i32
      %add3A_160 = arith.constant 1 : i32
      %add3A_161 = arith.addi %mul3A_159, %add3A_160 : i32
      %mul3A_162 = arith.constant 64 : i32
      %mul3A_163 = arith.muli %add3A_161, %mul3A_162 : i32
      %dma_wait3A_164 = arith.constant 0 : i32
      %dma_wait3A_165 = arith.constant 0 : i32
      %dma_wait3A_166 = tpu.memref_slice %arg8[%dma_wait3A_164, %dma_wait3A_165] : memref<64x384xf32, #tpu.memory_space<vmem>> -> memref<64x128xf32, #tpu.memory_space<vmem>>
      %dma_wait3A_167 = tpu.memref_slice %arg6[%mul3A_163] : memref<6400xi32, #tpu.memory_space<vmem>> -> memref<64xi32, #tpu.memory_space<vmem>>
      %dma_wait3A_168 = arith.constant 0 : i32
      %dma_wait3A_169 = arith.constant 0 : i32
      %dma_wait3A_170 = tpu.memref_slice %arg3[%dma_wait3A_168, %dma_wait3A_169] : memref<88714x300xf32, #tpu.memory_space<hbm>> -> memref<88714x128xf32, #tpu.memory_space<hbm>>
      tpu.wait_indirect_dma semaphore(%arg12 : memref<!tpu.dma_semaphore, #tpu.memory_space<semaphore_mem>>) src(%dma_wait3A_170 : memref<88714x128xf32, #tpu.memory_space<hbm>>) dst(%dma_wait3A_166 : memref<64x128xf32, #tpu.memory_space<vmem>>)
      %dma_wait3A_171 = arith.constant 0 : i32
      %dma_wait3A_172 = arith.constant 128 : i32
      %dma_wait3A_173 = tpu.memref_slice %arg8[%dma_wait3A_171, %dma_wait3A_172] : memref<64x384xf32, #tpu.memory_space<vmem>> -> memref<64x128xf32, #tpu.memory_space<vmem>>
      %dma_wait3A_174 = tpu.memref_slice %arg6[%mul3A_163] : memref<6400xi32, #tpu.memory_space<vmem>> -> memref<64xi32, #tpu.memory_space<vmem>>
      %dma_wait3A_175 = arith.constant 0 : i32
      %dma_wait3A_176 = arith.constant 128 : i32
      %dma_wait3A_177 = tpu.memref_slice %arg3[%dma_wait3A_175, %dma_wait3A_176] : memref<88714x300xf32, #tpu.memory_space<hbm>> -> memref<88714x128xf32, #tpu.memory_space<hbm>>
      tpu.wait_indirect_dma semaphore(%arg12 : memref<!tpu.dma_semaphore, #tpu.memory_space<semaphore_mem>>) src(%dma_wait3A_177 : memref<88714x128xf32, #tpu.memory_space<hbm>>) dst(%dma_wait3A_173 : memref<64x128xf32, #tpu.memory_space<vmem>>)
      %dma_wait3A_178 = arith.constant 0 : i32
      %dma_wait3A_179 = arith.constant 256 : i32
      %dma_wait3A_180 = tpu.memref_slice %arg8[%dma_wait3A_178, %dma_wait3A_179] : memref<64x384xf32, #tpu.memory_space<vmem>> -> memref<64x128xf32, #tpu.memory_space<vmem>>
      %dma_wait3A_181 = tpu.memref_slice %arg6[%mul3A_163] : memref<6400xi32, #tpu.memory_space<vmem>> -> memref<64xi32, #tpu.memory_space<vmem>>
      %dma_wait3A_182 = arith.constant 0 : i32
      %dma_wait3A_183 = arith.constant 0 : i32
      %dma_wait3A_184 = tpu.memref_slice %arg4[%dma_wait3A_182, %dma_wait3A_183] : memref<88714x128xf32, #tpu.memory_space<hbm>> -> memref<88714x128xf32, #tpu.memory_space<hbm>>
      tpu.wait_indirect_dma semaphore(%arg12 : memref<!tpu.dma_semaphore, #tpu.memory_space<semaphore_mem>>) src(%dma_wait3A_184 : memref<88714x128xf32, #tpu.memory_space<hbm>>) dst(%dma_wait3A_180 : memref<64x128xf32, #tpu.memory_space<vmem>>)
      %scan3A_185 = arith.constant 0 : i32
      %scan3A_186 = arith.constant 0 : i32
      %scan3A_187 = arith.constant 8 : i32
      %scan3A_188 = arith.addi %scan3A_186, %scan3A_187 : i32
      %scan3A_189 = arith.constant 1 : i32
      scf.for %scan3A_284 = %scan3A_186 to %scan3A_188 step %scan3A_189  : i32 {
        %mul3A_285 = arith.constant 8 : i32
        %mul3A_286 = arith.muli %mul3A_285, %scan3A_284 : i32
        %mul3A_287 = arith.constant 8 : i32
        %mul3A_288 = arith.muli %add3A_161, %mul3A_287 : i32
        %add3A_289 = arith.addi %select_n3A, %mul3A_288 : i32
        %add3A_290 = arith.addi %add3A_289, %scan3A_284 : i32
        %dma_start3A_291 = arith.constant 0 : i32
        %dma_start3A_292 = tpu.memref_slice %arg8[%mul3A_286, %dma_start3A_291] : memref<64x384xf32, #tpu.memory_space<vmem>> -> memref<8x384xf32, #tpu.memory_space<vmem>>
        %dma_start3A_293 = arith.constant 0 : i32
        %dma_start3A_294 = arith.constant 0 : i32
        %dma_start3A_295 = tpu.memref_slice %arg5[%add3A_290, %dma_start3A_293, %dma_start3A_294] : memref<25600x8x384xf32, #tpu.memory_space<hbm>> -> memref<1x8x384xf32, #tpu.memory_space<hbm>>
        %dma_start3A_296 = tpu.memref_squeeze %dma_start3A_295 : memref<1x8x384xf32, #tpu.memory_space<hbm>> -> memref<8x384xf32, #tpu.memory_space<hbm>>
        %dma_start3A_297 = arith.constant 0 : i32
        %dma_start3A_298 = arith.constant 0 : i32
        %dma_start3A_299 = tpu.memref_slice %arg5[%add3A_290, %dma_start3A_297, %dma_start3A_298] : memref<25600x8x384xf32, #tpu.memory_space<hbm>> -> memref<1x8x384xf32, #tpu.memory_space<hbm>>
        %dma_start3A_300 = tpu.memref_squeeze %dma_start3A_299 : memref<1x8x384xf32, #tpu.memory_space<hbm>> -> memref<8x384xf32, #tpu.memory_space<hbm>>
        %dma_start3A_301 = arith.constant 0 : i32
        %dma_start3A_302 = tpu.memref_slice %arg8[%mul3A_286, %dma_start3A_301] : memref<64x384xf32, #tpu.memory_space<vmem>> -> memref<8x384xf32, #tpu.memory_space<vmem>>
        tpu.enqueue_dma source(%dma_start3A_302 : memref<8x384xf32, #tpu.memory_space<vmem>>) target(%dma_start3A_300 : memref<8x384xf32, #tpu.memory_space<hbm>>) target_semaphore(%arg16 : memref<!tpu.dma_semaphore, #tpu.memory_space<semaphore_mem>>)
      }
      %scan3A_190 = arith.constant 8 : i32
      %add3A_191 = arith.constant 4 : i32
      %add3A_192 = arith.addi %add3A_161, %add3A_191 : i32
      %sub3A_193 = arith.constant 1 : i32
      %sub3A_194 = arith.subi %add3A_192, %sub3A_193 : i32
      %lt3A_195 = arith.constant 100 : i32
      %lt3A_196 = arith.cmpi slt, %sub3A_194, %lt3A_195 : i32
      %convert_element_type3A_197 = arith.extui %lt3A_196 : i1 to i32
      %cond3A_198 = arith.constant 0 : i32
      %cond3A_199 = arith.cmpi ne, %convert_element_type3A_197, %cond3A_198 : i32
      scf.if %cond3A_199 {
        %ge3A = arith.constant 1 : i32
        %ge3A_284 = arith.cmpi sge, %add3A_161, %ge3A : i32
        %convert_element_type3A_285 = arith.extui %ge3A_284 : i1 to i32
        %cond3A_286 = arith.constant 0 : i32
        %cond3A_287 = arith.cmpi ne, %convert_element_type3A_285, %cond3A_286 : i32
        scf.if %cond3A_287 {
          %sub3A_315 = arith.constant 1 : i32
          %sub3A_316 = arith.subi %add3A_161, %sub3A_315 : i32
          %scan3A_317 = arith.constant 0 : i32
          %scan3A_318 = arith.constant 0 : i32
          %scan3A_319 = arith.constant 8 : i32
          %scan3A_320 = arith.addi %scan3A_318, %scan3A_319 : i32
          %scan3A_321 = arith.constant 1 : i32
          scf.for %scan3A_323 = %scan3A_318 to %scan3A_320 step %scan3A_321  : i32 {
            %mul3A_324 = arith.constant 8 : i32
            %mul3A_325 = arith.muli %mul3A_324, %scan3A_323 : i32
            %mul3A_326 = arith.constant 8 : i32
            %mul3A_327 = arith.muli %sub3A_316, %mul3A_326 : i32
            %add3A_328 = arith.addi %select_n3A, %mul3A_327 : i32
            %add3A_329 = arith.addi %add3A_328, %scan3A_323 : i32
            %dma_wait3A_330 = arith.constant 0 : i32
            %dma_wait3A_331 = tpu.memref_slice %arg7[%mul3A_325, %dma_wait3A_330] : memref<64x384xf32, #tpu.memory_space<vmem>> -> memref<8x384xf32, #tpu.memory_space<vmem>>
            %dma_wait3A_332 = arith.constant 0 : i32
            %dma_wait3A_333 = arith.constant 0 : i32
            %dma_wait3A_334 = tpu.memref_slice %arg5[%add3A_329, %dma_wait3A_332, %dma_wait3A_333] : memref<25600x8x384xf32, #tpu.memory_space<hbm>> -> memref<1x8x384xf32, #tpu.memory_space<hbm>>
            %dma_wait3A_335 = tpu.memref_squeeze %dma_wait3A_334 : memref<1x8x384xf32, #tpu.memory_space<hbm>> -> memref<8x384xf32, #tpu.memory_space<hbm>>
            %dma_wait3A_336 = arith.constant 0 : i32
            %dma_wait3A_337 = arith.constant 0 : i32
            %dma_wait3A_338 = tpu.memref_slice %arg5[%add3A_329, %dma_wait3A_336, %dma_wait3A_337] : memref<25600x8x384xf32, #tpu.memory_space<hbm>> -> memref<1x8x384xf32, #tpu.memory_space<hbm>>
            %dma_wait3A_339 = tpu.memref_squeeze %dma_wait3A_338 : memref<1x8x384xf32, #tpu.memory_space<hbm>> -> memref<8x384xf32, #tpu.memory_space<hbm>>
            %dma_wait3A_340 = arith.constant 0 : i32
            %dma_wait3A_341 = tpu.memref_slice %arg7[%mul3A_325, %dma_wait3A_340] : memref<64x384xf32, #tpu.memory_space<vmem>> -> memref<8x384xf32, #tpu.memory_space<vmem>>
            tpu.wait_dma2 semaphore(%arg15 : memref<!tpu.dma_semaphore, #tpu.memory_space<semaphore_mem>>) src(%dma_wait3A_341 : memref<8x384xf32, #tpu.memory_space<vmem>>) dst(%dma_wait3A_339 : memref<8x384xf32, #tpu.memory_space<hbm>>)
          }
          %scan3A_322 = arith.constant 8 : i32
        } else {
        }
        %add3A_288 = arith.constant 4 : i32
        %add3A_289 = arith.addi %add3A_161, %add3A_288 : i32
        %sub3A_290 = arith.constant 1 : i32
        %sub3A_291 = arith.subi %add3A_289, %sub3A_290 : i32
        %mul3A_292 = arith.constant 64 : i32
        %mul3A_293 = arith.muli %sub3A_291, %mul3A_292 : i32
        %dma_start3A_294 = arith.constant 0 : i32
        %dma_start3A_295 = arith.constant 0 : i32
        %dma_start3A_296 = tpu.memref_slice %arg7[%dma_start3A_294, %dma_start3A_295] : memref<64x384xf32, #tpu.memory_space<vmem>> -> memref<64x128xf32, #tpu.memory_space<vmem>>
        %dma_start3A_297 = tpu.memref_slice %arg6[%mul3A_293] : memref<6400xi32, #tpu.memory_space<vmem>> -> memref<64xi32, #tpu.memory_space<vmem>>
        %dma_start3A_298 = arith.constant 0 : i32
        %dma_start3A_299 = arith.constant 0 : i32
        %dma_start3A_300 = tpu.memref_slice %arg3[%dma_start3A_298, %dma_start3A_299] : memref<88714x300xf32, #tpu.memory_space<hbm>> -> memref<88714x128xf32, #tpu.memory_space<hbm>>
        tpu.enqueue_indirect_dma source(%dma_start3A_300 : memref<88714x128xf32, #tpu.memory_space<hbm>>) target(%dma_start3A_296 : memref<64x128xf32, #tpu.memory_space<vmem>>) offsets(%dma_start3A_297 : memref<64xi32, #tpu.memory_space<vmem>>) semaphore(%arg11 : memref<!tpu.dma_semaphore, #tpu.memory_space<semaphore_mem>>)
        %dma_start3A_301 = arith.constant 0 : i32
        %dma_start3A_302 = arith.constant 128 : i32
        %dma_start3A_303 = tpu.memref_slice %arg7[%dma_start3A_301, %dma_start3A_302] : memref<64x384xf32, #tpu.memory_space<vmem>> -> memref<64x128xf32, #tpu.memory_space<vmem>>
        %dma_start3A_304 = tpu.memref_slice %arg6[%mul3A_293] : memref<6400xi32, #tpu.memory_space<vmem>> -> memref<64xi32, #tpu.memory_space<vmem>>
        %dma_start3A_305 = arith.constant 0 : i32
        %dma_start3A_306 = arith.constant 128 : i32
        %dma_start3A_307 = tpu.memref_slice %arg3[%dma_start3A_305, %dma_start3A_306] : memref<88714x300xf32, #tpu.memory_space<hbm>> -> memref<88714x128xf32, #tpu.memory_space<hbm>>
        tpu.enqueue_indirect_dma source(%dma_start3A_307 : memref<88714x128xf32, #tpu.memory_space<hbm>>) target(%dma_start3A_303 : memref<64x128xf32, #tpu.memory_space<vmem>>) offsets(%dma_start3A_304 : memref<64xi32, #tpu.memory_space<vmem>>) semaphore(%arg11 : memref<!tpu.dma_semaphore, #tpu.memory_space<semaphore_mem>>)
        %dma_start3A_308 = arith.constant 0 : i32
        %dma_start3A_309 = arith.constant 256 : i32
        %dma_start3A_310 = tpu.memref_slice %arg7[%dma_start3A_308, %dma_start3A_309] : memref<64x384xf32, #tpu.memory_space<vmem>> -> memref<64x128xf32, #tpu.memory_space<vmem>>
        %dma_start3A_311 = tpu.memref_slice %arg6[%mul3A_293] : memref<6400xi32, #tpu.memory_space<vmem>> -> memref<64xi32, #tpu.memory_space<vmem>>
        %dma_start3A_312 = arith.constant 0 : i32
        %dma_start3A_313 = arith.constant 0 : i32
        %dma_start3A_314 = tpu.memref_slice %arg4[%dma_start3A_312, %dma_start3A_313] : memref<88714x128xf32, #tpu.memory_space<hbm>> -> memref<88714x128xf32, #tpu.memory_space<hbm>>
        tpu.enqueue_indirect_dma source(%dma_start3A_314 : memref<88714x128xf32, #tpu.memory_space<hbm>>) target(%dma_start3A_310 : memref<64x128xf32, #tpu.memory_space<vmem>>) offsets(%dma_start3A_311 : memref<64xi32, #tpu.memory_space<vmem>>) semaphore(%arg11 : memref<!tpu.dma_semaphore, #tpu.memory_space<semaphore_mem>>)
      } else {
      }
      %mul3A_200 = arith.constant 4 : i32
      %mul3A_201 = arith.muli %mul3A_200, %scan3A_119 : i32
      %add3A_202 = arith.constant 2 : i32
      %add3A_203 = arith.addi %mul3A_201, %add3A_202 : i32
      %mul3A_204 = arith.constant 64 : i32
      %mul3A_205 = arith.muli %add3A_203, %mul3A_204 : i32
      %dma_wait3A_206 = arith.constant 0 : i32
      %dma_wait3A_207 = arith.constant 0 : i32
      %dma_wait3A_208 = tpu.memref_slice %arg9[%dma_wait3A_206, %dma_wait3A_207] : memref<64x384xf32, #tpu.memory_space<vmem>> -> memref<64x128xf32, #tpu.memory_space<vmem>>
      %dma_wait3A_209 = tpu.memref_slice %arg6[%mul3A_205] : memref<6400xi32, #tpu.memory_space<vmem>> -> memref<64xi32, #tpu.memory_space<vmem>>
      %dma_wait3A_210 = arith.constant 0 : i32
      %dma_wait3A_211 = arith.constant 0 : i32
      %dma_wait3A_212 = tpu.memref_slice %arg3[%dma_wait3A_210, %dma_wait3A_211] : memref<88714x300xf32, #tpu.memory_space<hbm>> -> memref<88714x128xf32, #tpu.memory_space<hbm>>
      tpu.wait_indirect_dma semaphore(%arg13 : memref<!tpu.dma_semaphore, #tpu.memory_space<semaphore_mem>>) src(%dma_wait3A_212 : memref<88714x128xf32, #tpu.memory_space<hbm>>) dst(%dma_wait3A_208 : memref<64x128xf32, #tpu.memory_space<vmem>>)
      %dma_wait3A_213 = arith.constant 0 : i32
      %dma_wait3A_214 = arith.constant 128 : i32
      %dma_wait3A_215 = tpu.memref_slice %arg9[%dma_wait3A_213, %dma_wait3A_214] : memref<64x384xf32, #tpu.memory_space<vmem>> -> memref<64x128xf32, #tpu.memory_space<vmem>>
      %dma_wait3A_216 = tpu.memref_slice %arg6[%mul3A_205] : memref<6400xi32, #tpu.memory_space<vmem>> -> memref<64xi32, #tpu.memory_space<vmem>>
      %dma_wait3A_217 = arith.constant 0 : i32
      %dma_wait3A_218 = arith.constant 128 : i32
      %dma_wait3A_219 = tpu.memref_slice %arg3[%dma_wait3A_217, %dma_wait3A_218] : memref<88714x300xf32, #tpu.memory_space<hbm>> -> memref<88714x128xf32, #tpu.memory_space<hbm>>
      tpu.wait_indirect_dma semaphore(%arg13 : memref<!tpu.dma_semaphore, #tpu.memory_space<semaphore_mem>>) src(%dma_wait3A_219 : memref<88714x128xf32, #tpu.memory_space<hbm>>) dst(%dma_wait3A_215 : memref<64x128xf32, #tpu.memory_space<vmem>>)
      %dma_wait3A_220 = arith.constant 0 : i32
      %dma_wait3A_221 = arith.constant 256 : i32
      %dma_wait3A_222 = tpu.memref_slice %arg9[%dma_wait3A_220, %dma_wait3A_221] : memref<64x384xf32, #tpu.memory_space<vmem>> -> memref<64x128xf32, #tpu.memory_space<vmem>>
      %dma_wait3A_223 = tpu.memref_slice %arg6[%mul3A_205] : memref<6400xi32, #tpu.memory_space<vmem>> -> memref<64xi32, #tpu.memory_space<vmem>>
      %dma_wait3A_224 = arith.constant 0 : i32
      %dma_wait3A_225 = arith.constant 0 : i32
      %dma_wait3A_226 = tpu.memref_slice %arg4[%dma_wait3A_224, %dma_wait3A_225] : memref<88714x128xf32, #tpu.memory_space<hbm>> -> memref<88714x128xf32, #tpu.memory_space<hbm>>
      tpu.wait_indirect_dma semaphore(%arg13 : memref<!tpu.dma_semaphore, #tpu.memory_space<semaphore_mem>>) src(%dma_wait3A_226 : memref<88714x128xf32, #tpu.memory_space<hbm>>) dst(%dma_wait3A_222 : memref<64x128xf32, #tpu.memory_space<vmem>>)
      %scan3A_227 = arith.constant 0 : i32
      %scan3A_228 = arith.constant 0 : i32
      %scan3A_229 = arith.constant 8 : i32
      %scan3A_230 = arith.addi %scan3A_228, %scan3A_229 : i32
      %scan3A_231 = arith.constant 1 : i32
      scf.for %scan3A_284 = %scan3A_228 to %scan3A_230 step %scan3A_231  : i32 {
        %mul3A_285 = arith.constant 8 : i32
        %mul3A_286 = arith.muli %mul3A_285, %scan3A_284 : i32
        %mul3A_287 = arith.constant 8 : i32
        %mul3A_288 = arith.muli %add3A_203, %mul3A_287 : i32
        %add3A_289 = arith.addi %select_n3A, %mul3A_288 : i32
        %add3A_290 = arith.addi %add3A_289, %scan3A_284 : i32
        %dma_start3A_291 = arith.constant 0 : i32
        %dma_start3A_292 = tpu.memref_slice %arg9[%mul3A_286, %dma_start3A_291] : memref<64x384xf32, #tpu.memory_space<vmem>> -> memref<8x384xf32, #tpu.memory_space<vmem>>
        %dma_start3A_293 = arith.constant 0 : i32
        %dma_start3A_294 = arith.constant 0 : i32
        %dma_start3A_295 = tpu.memref_slice %arg5[%add3A_290, %dma_start3A_293, %dma_start3A_294] : memref<25600x8x384xf32, #tpu.memory_space<hbm>> -> memref<1x8x384xf32, #tpu.memory_space<hbm>>
        %dma_start3A_296 = tpu.memref_squeeze %dma_start3A_295 : memref<1x8x384xf32, #tpu.memory_space<hbm>> -> memref<8x384xf32, #tpu.memory_space<hbm>>
        %dma_start3A_297 = arith.constant 0 : i32
        %dma_start3A_298 = arith.constant 0 : i32
        %dma_start3A_299 = tpu.memref_slice %arg5[%add3A_290, %dma_start3A_297, %dma_start3A_298] : memref<25600x8x384xf32, #tpu.memory_space<hbm>> -> memref<1x8x384xf32, #tpu.memory_space<hbm>>
        %dma_start3A_300 = tpu.memref_squeeze %dma_start3A_299 : memref<1x8x384xf32, #tpu.memory_space<hbm>> -> memref<8x384xf32, #tpu.memory_space<hbm>>
        %dma_start3A_301 = arith.constant 0 : i32
        %dma_start3A_302 = tpu.memref_slice %arg9[%mul3A_286, %dma_start3A_301] : memref<64x384xf32, #tpu.memory_space<vmem>> -> memref<8x384xf32, #tpu.memory_space<vmem>>
        tpu.enqueue_dma source(%dma_start3A_302 : memref<8x384xf32, #tpu.memory_space<vmem>>) target(%dma_start3A_300 : memref<8x384xf32, #tpu.memory_space<hbm>>) target_semaphore(%arg17 : memref<!tpu.dma_semaphore, #tpu.memory_space<semaphore_mem>>)
      }
      %scan3A_232 = arith.constant 8 : i32
      %add3A_233 = arith.constant 4 : i32
      %add3A_234 = arith.addi %add3A_203, %add3A_233 : i32
      %sub3A_235 = arith.constant 1 : i32
      %sub3A_236 = arith.subi %add3A_234, %sub3A_235 : i32
      %lt3A_237 = arith.constant 100 : i32
      %lt3A_238 = arith.cmpi slt, %sub3A_236, %lt3A_237 : i32
      %convert_element_type3A_239 = arith.extui %lt3A_238 : i1 to i32
      %cond3A_240 = arith.constant 0 : i32
      %cond3A_241 = arith.cmpi ne, %convert_element_type3A_239, %cond3A_240 : i32
      scf.if %cond3A_241 {
        %ge3A = arith.constant 1 : i32
        %ge3A_284 = arith.cmpi sge, %add3A_203, %ge3A : i32
        %convert_element_type3A_285 = arith.extui %ge3A_284 : i1 to i32
        %cond3A_286 = arith.constant 0 : i32
        %cond3A_287 = arith.cmpi ne, %convert_element_type3A_285, %cond3A_286 : i32
        scf.if %cond3A_287 {
          %sub3A_315 = arith.constant 1 : i32
          %sub3A_316 = arith.subi %add3A_203, %sub3A_315 : i32
          %scan3A_317 = arith.constant 0 : i32
          %scan3A_318 = arith.constant 0 : i32
          %scan3A_319 = arith.constant 8 : i32
          %scan3A_320 = arith.addi %scan3A_318, %scan3A_319 : i32
          %scan3A_321 = arith.constant 1 : i32
          scf.for %scan3A_323 = %scan3A_318 to %scan3A_320 step %scan3A_321  : i32 {
            %mul3A_324 = arith.constant 8 : i32
            %mul3A_325 = arith.muli %mul3A_324, %scan3A_323 : i32
            %mul3A_326 = arith.constant 8 : i32
            %mul3A_327 = arith.muli %sub3A_316, %mul3A_326 : i32
            %add3A_328 = arith.addi %select_n3A, %mul3A_327 : i32
            %add3A_329 = arith.addi %add3A_328, %scan3A_323 : i32
            %dma_wait3A_330 = arith.constant 0 : i32
            %dma_wait3A_331 = tpu.memref_slice %arg8[%mul3A_325, %dma_wait3A_330] : memref<64x384xf32, #tpu.memory_space<vmem>> -> memref<8x384xf32, #tpu.memory_space<vmem>>
            %dma_wait3A_332 = arith.constant 0 : i32
            %dma_wait3A_333 = arith.constant 0 : i32
            %dma_wait3A_334 = tpu.memref_slice %arg5[%add3A_329, %dma_wait3A_332, %dma_wait3A_333] : memref<25600x8x384xf32, #tpu.memory_space<hbm>> -> memref<1x8x384xf32, #tpu.memory_space<hbm>>
            %dma_wait3A_335 = tpu.memref_squeeze %dma_wait3A_334 : memref<1x8x384xf32, #tpu.memory_space<hbm>> -> memref<8x384xf32, #tpu.memory_space<hbm>>
            %dma_wait3A_336 = arith.constant 0 : i32
            %dma_wait3A_337 = arith.constant 0 : i32
            %dma_wait3A_338 = tpu.memref_slice %arg5[%add3A_329, %dma_wait3A_336, %dma_wait3A_337] : memref<25600x8x384xf32, #tpu.memory_space<hbm>> -> memref<1x8x384xf32, #tpu.memory_space<hbm>>
            %dma_wait3A_339 = tpu.memref_squeeze %dma_wait3A_338 : memref<1x8x384xf32, #tpu.memory_space<hbm>> -> memref<8x384xf32, #tpu.memory_space<hbm>>
            %dma_wait3A_340 = arith.constant 0 : i32
            %dma_wait3A_341 = tpu.memref_slice %arg8[%mul3A_325, %dma_wait3A_340] : memref<64x384xf32, #tpu.memory_space<vmem>> -> memref<8x384xf32, #tpu.memory_space<vmem>>
            tpu.wait_dma2 semaphore(%arg16 : memref<!tpu.dma_semaphore, #tpu.memory_space<semaphore_mem>>) src(%dma_wait3A_341 : memref<8x384xf32, #tpu.memory_space<vmem>>) dst(%dma_wait3A_339 : memref<8x384xf32, #tpu.memory_space<hbm>>)
          }
          %scan3A_322 = arith.constant 8 : i32
        } else {
        }
        %add3A_288 = arith.constant 4 : i32
        %add3A_289 = arith.addi %add3A_203, %add3A_288 : i32
        %sub3A_290 = arith.constant 1 : i32
        %sub3A_291 = arith.subi %add3A_289, %sub3A_290 : i32
        %mul3A_292 = arith.constant 64 : i32
        %mul3A_293 = arith.muli %sub3A_291, %mul3A_292 : i32
        %dma_start3A_294 = arith.constant 0 : i32
        %dma_start3A_295 = arith.constant 0 : i32
        %dma_start3A_296 = tpu.memref_slice %arg8[%dma_start3A_294, %dma_start3A_295] : memref<64x384xf32, #tpu.memory_space<vmem>> -> memref<64x128xf32, #tpu.memory_space<vmem>>
        %dma_start3A_297 = tpu.memref_slice %arg6[%mul3A_293] : memref<6400xi32, #tpu.memory_space<vmem>> -> memref<64xi32, #tpu.memory_space<vmem>>
        %dma_start3A_298 = arith.constant 0 : i32
        %dma_start3A_299 = arith.constant 0 : i32
        %dma_start3A_300 = tpu.memref_slice %arg3[%dma_start3A_298, %dma_start3A_299] : memref<88714x300xf32, #tpu.memory_space<hbm>> -> memref<88714x128xf32, #tpu.memory_space<hbm>>
        tpu.enqueue_indirect_dma source(%dma_start3A_300 : memref<88714x128xf32, #tpu.memory_space<hbm>>) target(%dma_start3A_296 : memref<64x128xf32, #tpu.memory_space<vmem>>) offsets(%dma_start3A_297 : memref<64xi32, #tpu.memory_space<vmem>>) semaphore(%arg12 : memref<!tpu.dma_semaphore, #tpu.memory_space<semaphore_mem>>)
        %dma_start3A_301 = arith.constant 0 : i32
        %dma_start3A_302 = arith.constant 128 : i32
        %dma_start3A_303 = tpu.memref_slice %arg8[%dma_start3A_301, %dma_start3A_302] : memref<64x384xf32, #tpu.memory_space<vmem>> -> memref<64x128xf32, #tpu.memory_space<vmem>>
        %dma_start3A_304 = tpu.memref_slice %arg6[%mul3A_293] : memref<6400xi32, #tpu.memory_space<vmem>> -> memref<64xi32, #tpu.memory_space<vmem>>
        %dma_start3A_305 = arith.constant 0 : i32
        %dma_start3A_306 = arith.constant 128 : i32
        %dma_start3A_307 = tpu.memref_slice %arg3[%dma_start3A_305, %dma_start3A_306] : memref<88714x300xf32, #tpu.memory_space<hbm>> -> memref<88714x128xf32, #tpu.memory_space<hbm>>
        tpu.enqueue_indirect_dma source(%dma_start3A_307 : memref<88714x128xf32, #tpu.memory_space<hbm>>) target(%dma_start3A_303 : memref<64x128xf32, #tpu.memory_space<vmem>>) offsets(%dma_start3A_304 : memref<64xi32, #tpu.memory_space<vmem>>) semaphore(%arg12 : memref<!tpu.dma_semaphore, #tpu.memory_space<semaphore_mem>>)
        %dma_start3A_308 = arith.constant 0 : i32
        %dma_start3A_309 = arith.constant 256 : i32
        %dma_start3A_310 = tpu.memref_slice %arg8[%dma_start3A_308, %dma_start3A_309] : memref<64x384xf32, #tpu.memory_space<vmem>> -> memref<64x128xf32, #tpu.memory_space<vmem>>
        %dma_start3A_311 = tpu.memref_slice %arg6[%mul3A_293] : memref<6400xi32, #tpu.memory_space<vmem>> -> memref<64xi32, #tpu.memory_space<vmem>>
        %dma_start3A_312 = arith.constant 0 : i32
        %dma_start3A_313 = arith.constant 0 : i32
        %dma_start3A_314 = tpu.memref_slice %arg4[%dma_start3A_312, %dma_start3A_313] : memref<88714x128xf32, #tpu.memory_space<hbm>> -> memref<88714x128xf32, #tpu.memory_space<hbm>>
        tpu.enqueue_indirect_dma source(%dma_start3A_314 : memref<88714x128xf32, #tpu.memory_space<hbm>>) target(%dma_start3A_310 : memref<64x128xf32, #tpu.memory_space<vmem>>) offsets(%dma_start3A_311 : memref<64xi32, #tpu.memory_space<vmem>>) semaphore(%arg12 : memref<!tpu.dma_semaphore, #tpu.memory_space<semaphore_mem>>)
      } else {
      }
      %mul3A_242 = arith.constant 4 : i32
      %mul3A_243 = arith.muli %mul3A_242, %scan3A_119 : i32
      %add3A_244 = arith.constant 3 : i32
      %add3A_245 = arith.addi %mul3A_243, %add3A_244 : i32
      %mul3A_246 = arith.constant 64 : i32
      %mul3A_247 = arith.muli %add3A_245, %mul3A_246 : i32
      %dma_wait3A_248 = arith.constant 0 : i32
      %dma_wait3A_249 = arith.constant 0 : i32
      %dma_wait3A_250 = tpu.memref_slice %arg10[%dma_wait3A_248, %dma_wait3A_249] : memref<64x384xf32, #tpu.memory_space<vmem>> -> memref<64x128xf32, #tpu.memory_space<vmem>>
      %dma_wait3A_251 = tpu.memref_slice %arg6[%mul3A_247] : memref<6400xi32, #tpu.memory_space<vmem>> -> memref<64xi32, #tpu.memory_space<vmem>>
      %dma_wait3A_252 = arith.constant 0 : i32
      %dma_wait3A_253 = arith.constant 0 : i32
      %dma_wait3A_254 = tpu.memref_slice %arg3[%dma_wait3A_252, %dma_wait3A_253] : memref<88714x300xf32, #tpu.memory_space<hbm>> -> memref<88714x128xf32, #tpu.memory_space<hbm>>
      tpu.wait_indirect_dma semaphore(%arg14 : memref<!tpu.dma_semaphore, #tpu.memory_space<semaphore_mem>>) src(%dma_wait3A_254 : memref<88714x128xf32, #tpu.memory_space<hbm>>) dst(%dma_wait3A_250 : memref<64x128xf32, #tpu.memory_space<vmem>>)
      %dma_wait3A_255 = arith.constant 0 : i32
      %dma_wait3A_256 = arith.constant 128 : i32
      %dma_wait3A_257 = tpu.memref_slice %arg10[%dma_wait3A_255, %dma_wait3A_256] : memref<64x384xf32, #tpu.memory_space<vmem>> -> memref<64x128xf32, #tpu.memory_space<vmem>>
      %dma_wait3A_258 = tpu.memref_slice %arg6[%mul3A_247] : memref<6400xi32, #tpu.memory_space<vmem>> -> memref<64xi32, #tpu.memory_space<vmem>>
      %dma_wait3A_259 = arith.constant 0 : i32
      %dma_wait3A_260 = arith.constant 128 : i32
      %dma_wait3A_261 = tpu.memref_slice %arg3[%dma_wait3A_259, %dma_wait3A_260] : memref<88714x300xf32, #tpu.memory_space<hbm>> -> memref<88714x128xf32, #tpu.memory_space<hbm>>
      tpu.wait_indirect_dma semaphore(%arg14 : memref<!tpu.dma_semaphore, #tpu.memory_space<semaphore_mem>>) src(%dma_wait3A_261 : memref<88714x128xf32, #tpu.memory_space<hbm>>) dst(%dma_wait3A_257 : memref<64x128xf32, #tpu.memory_space<vmem>>)
      %dma_wait3A_262 = arith.constant 0 : i32
      %dma_wait3A_263 = arith.constant 256 : i32
      %dma_wait3A_264 = tpu.memref_slice %arg10[%dma_wait3A_262, %dma_wait3A_263] : memref<64x384xf32, #tpu.memory_space<vmem>> -> memref<64x128xf32, #tpu.memory_space<vmem>>
      %dma_wait3A_265 = tpu.memref_slice %arg6[%mul3A_247] : memref<6400xi32, #tpu.memory_space<vmem>> -> memref<64xi32, #tpu.memory_space<vmem>>
      %dma_wait3A_266 = arith.constant 0 : i32
      %dma_wait3A_267 = arith.constant 0 : i32
      %dma_wait3A_268 = tpu.memref_slice %arg4[%dma_wait3A_266, %dma_wait3A_267] : memref<88714x128xf32, #tpu.memory_space<hbm>> -> memref<88714x128xf32, #tpu.memory_space<hbm>>
      tpu.wait_indirect_dma semaphore(%arg14 : memref<!tpu.dma_semaphore, #tpu.memory_space<semaphore_mem>>) src(%dma_wait3A_268 : memref<88714x128xf32, #tpu.memory_space<hbm>>) dst(%dma_wait3A_264 : memref<64x128xf32, #tpu.memory_space<vmem>>)
      %scan3A_269 = arith.constant 0 : i32
      %scan3A_270 = arith.constant 0 : i32
      %scan3A_271 = arith.constant 8 : i32
      %scan3A_272 = arith.addi %scan3A_270, %scan3A_271 : i32
      %scan3A_273 = arith.constant 1 : i32
      scf.for %scan3A_284 = %scan3A_270 to %scan3A_272 step %scan3A_273  : i32 {
        %mul3A_285 = arith.constant 8 : i32
        %mul3A_286 = arith.muli %mul3A_285, %scan3A_284 : i32
        %mul3A_287 = arith.constant 8 : i32
        %mul3A_288 = arith.muli %add3A_245, %mul3A_287 : i32
        %add3A_289 = arith.addi %select_n3A, %mul3A_288 : i32
        %add3A_290 = arith.addi %add3A_289, %scan3A_284 : i32
        %dma_start3A_291 = arith.constant 0 : i32
        %dma_start3A_292 = tpu.memref_slice %arg10[%mul3A_286, %dma_start3A_291] : memref<64x384xf32, #tpu.memory_space<vmem>> -> memref<8x384xf32, #tpu.memory_space<vmem>>
        %dma_start3A_293 = arith.constant 0 : i32
        %dma_start3A_294 = arith.constant 0 : i32
        %dma_start3A_295 = tpu.memref_slice %arg5[%add3A_290, %dma_start3A_293, %dma_start3A_294] : memref<25600x8x384xf32, #tpu.memory_space<hbm>> -> memref<1x8x384xf32, #tpu.memory_space<hbm>>
        %dma_start3A_296 = tpu.memref_squeeze %dma_start3A_295 : memref<1x8x384xf32, #tpu.memory_space<hbm>> -> memref<8x384xf32, #tpu.memory_space<hbm>>
        %dma_start3A_297 = arith.constant 0 : i32
        %dma_start3A_298 = arith.constant 0 : i32
        %dma_start3A_299 = tpu.memref_slice %arg5[%add3A_290, %dma_start3A_297, %dma_start3A_298] : memref<25600x8x384xf32, #tpu.memory_space<hbm>> -> memref<1x8x384xf32, #tpu.memory_space<hbm>>
        %dma_start3A_300 = tpu.memref_squeeze %dma_start3A_299 : memref<1x8x384xf32, #tpu.memory_space<hbm>> -> memref<8x384xf32, #tpu.memory_space<hbm>>
        %dma_start3A_301 = arith.constant 0 : i32
        %dma_start3A_302 = tpu.memref_slice %arg10[%mul3A_286, %dma_start3A_301] : memref<64x384xf32, #tpu.memory_space<vmem>> -> memref<8x384xf32, #tpu.memory_space<vmem>>
        tpu.enqueue_dma source(%dma_start3A_302 : memref<8x384xf32, #tpu.memory_space<vmem>>) target(%dma_start3A_300 : memref<8x384xf32, #tpu.memory_space<hbm>>) target_semaphore(%arg18 : memref<!tpu.dma_semaphore, #tpu.memory_space<semaphore_mem>>)
      }
      %scan3A_274 = arith.constant 8 : i32
      %add3A_275 = arith.constant 4 : i32
      %add3A_276 = arith.addi %add3A_245, %add3A_275 : i32
      %sub3A_277 = arith.constant 1 : i32
      %sub3A_278 = arith.subi %add3A_276, %sub3A_277 : i32
      %lt3A_279 = arith.constant 100 : i32
      %lt3A_280 = arith.cmpi slt, %sub3A_278, %lt3A_279 : i32
      %convert_element_type3A_281 = arith.extui %lt3A_280 : i1 to i32
      %cond3A_282 = arith.constant 0 : i32
      %cond3A_283 = arith.cmpi ne, %convert_element_type3A_281, %cond3A_282 : i32
      scf.if %cond3A_283 {
        %ge3A = arith.constant 1 : i32
        %ge3A_284 = arith.cmpi sge, %add3A_245, %ge3A : i32
        %convert_element_type3A_285 = arith.extui %ge3A_284 : i1 to i32
        %cond3A_286 = arith.constant 0 : i32
        %cond3A_287 = arith.cmpi ne, %convert_element_type3A_285, %cond3A_286 : i32
        scf.if %cond3A_287 {
          %sub3A_315 = arith.constant 1 : i32
          %sub3A_316 = arith.subi %add3A_245, %sub3A_315 : i32
          %scan3A_317 = arith.constant 0 : i32
          %scan3A_318 = arith.constant 0 : i32
          %scan3A_319 = arith.constant 8 : i32
          %scan3A_320 = arith.addi %scan3A_318, %scan3A_319 : i32
          %scan3A_321 = arith.constant 1 : i32
          scf.for %scan3A_323 = %scan3A_318 to %scan3A_320 step %scan3A_321  : i32 {
            %mul3A_324 = arith.constant 8 : i32
            %mul3A_325 = arith.muli %mul3A_324, %scan3A_323 : i32
            %mul3A_326 = arith.constant 8 : i32
            %mul3A_327 = arith.muli %sub3A_316, %mul3A_326 : i32
            %add3A_328 = arith.addi %select_n3A, %mul3A_327 : i32
            %add3A_329 = arith.addi %add3A_328, %scan3A_323 : i32
            %dma_wait3A_330 = arith.constant 0 : i32
            %dma_wait3A_331 = tpu.memref_slice %arg9[%mul3A_325, %dma_wait3A_330] : memref<64x384xf32, #tpu.memory_space<vmem>> -> memref<8x384xf32, #tpu.memory_space<vmem>>
            %dma_wait3A_332 = arith.constant 0 : i32
            %dma_wait3A_333 = arith.constant 0 : i32
            %dma_wait3A_334 = tpu.memref_slice %arg5[%add3A_329, %dma_wait3A_332, %dma_wait3A_333] : memref<25600x8x384xf32, #tpu.memory_space<hbm>> -> memref<1x8x384xf32, #tpu.memory_space<hbm>>
            %dma_wait3A_335 = tpu.memref_squeeze %dma_wait3A_334 : memref<1x8x384xf32, #tpu.memory_space<hbm>> -> memref<8x384xf32, #tpu.memory_space<hbm>>
            %dma_wait3A_336 = arith.constant 0 : i32
            %dma_wait3A_337 = arith.constant 0 : i32
            %dma_wait3A_338 = tpu.memref_slice %arg5[%add3A_329, %dma_wait3A_336, %dma_wait3A_337] : memref<25600x8x384xf32, #tpu.memory_space<hbm>> -> memref<1x8x384xf32, #tpu.memory_space<hbm>>
            %dma_wait3A_339 = tpu.memref_squeeze %dma_wait3A_338 : memref<1x8x384xf32, #tpu.memory_space<hbm>> -> memref<8x384xf32, #tpu.memory_space<hbm>>
            %dma_wait3A_340 = arith.constant 0 : i32
            %dma_wait3A_341 = tpu.memref_slice %arg9[%mul3A_325, %dma_wait3A_340] : memref<64x384xf32, #tpu.memory_space<vmem>> -> memref<8x384xf32, #tpu.memory_space<vmem>>
            tpu.wait_dma2 semaphore(%arg17 : memref<!tpu.dma_semaphore, #tpu.memory_space<semaphore_mem>>) src(%dma_wait3A_341 : memref<8x384xf32, #tpu.memory_space<vmem>>) dst(%dma_wait3A_339 : memref<8x384xf32, #tpu.memory_space<hbm>>)
          }
          %scan3A_322 = arith.constant 8 : i32
        } else {
        }
        %add3A_288 = arith.constant 4 : i32
        %add3A_289 = arith.addi %add3A_245, %add3A_288 : i32
        %sub3A_290 = arith.constant 1 : i32
        %sub3A_291 = arith.subi %add3A_289, %sub3A_290 : i32
        %mul3A_292 = arith.constant 64 : i32
        %mul3A_293 = arith.muli %sub3A_291, %mul3A_292 : i32
        %dma_start3A_294 = arith.constant 0 : i32
        %dma_start3A_295 = arith.constant 0 : i32
        %dma_start3A_296 = tpu.memref_slice %arg9[%dma_start3A_294, %dma_start3A_295] : memref<64x384xf32, #tpu.memory_space<vmem>> -> memref<64x128xf32, #tpu.memory_space<vmem>>
        %dma_start3A_297 = tpu.memref_slice %arg6[%mul3A_293] : memref<6400xi32, #tpu.memory_space<vmem>> -> memref<64xi32, #tpu.memory_space<vmem>>
        %dma_start3A_298 = arith.constant 0 : i32
        %dma_start3A_299 = arith.constant 0 : i32
        %dma_start3A_300 = tpu.memref_slice %arg3[%dma_start3A_298, %dma_start3A_299] : memref<88714x300xf32, #tpu.memory_space<hbm>> -> memref<88714x128xf32, #tpu.memory_space<hbm>>
        tpu.enqueue_indirect_dma source(%dma_start3A_300 : memref<88714x128xf32, #tpu.memory_space<hbm>>) target(%dma_start3A_296 : memref<64x128xf32, #tpu.memory_space<vmem>>) offsets(%dma_start3A_297 : memref<64xi32, #tpu.memory_space<vmem>>) semaphore(%arg13 : memref<!tpu.dma_semaphore, #tpu.memory_space<semaphore_mem>>)
        %dma_start3A_301 = arith.constant 0 : i32
        %dma_start3A_302 = arith.constant 128 : i32
        %dma_start3A_303 = tpu.memref_slice %arg9[%dma_start3A_301, %dma_start3A_302] : memref<64x384xf32, #tpu.memory_space<vmem>> -> memref<64x128xf32, #tpu.memory_space<vmem>>
        %dma_start3A_304 = tpu.memref_slice %arg6[%mul3A_293] : memref<6400xi32, #tpu.memory_space<vmem>> -> memref<64xi32, #tpu.memory_space<vmem>>
        %dma_start3A_305 = arith.constant 0 : i32
        %dma_start3A_306 = arith.constant 128 : i32
        %dma_start3A_307 = tpu.memref_slice %arg3[%dma_start3A_305, %dma_start3A_306] : memref<88714x300xf32, #tpu.memory_space<hbm>> -> memref<88714x128xf32, #tpu.memory_space<hbm>>
        tpu.enqueue_indirect_dma source(%dma_start3A_307 : memref<88714x128xf32, #tpu.memory_space<hbm>>) target(%dma_start3A_303 : memref<64x128xf32, #tpu.memory_space<vmem>>) offsets(%dma_start3A_304 : memref<64xi32, #tpu.memory_space<vmem>>) semaphore(%arg13 : memref<!tpu.dma_semaphore, #tpu.memory_space<semaphore_mem>>)
        %dma_start3A_308 = arith.constant 0 : i32
        %dma_start3A_309 = arith.constant 256 : i32
        %dma_start3A_310 = tpu.memref_slice %arg9[%dma_start3A_308, %dma_start3A_309] : memref<64x384xf32, #tpu.memory_space<vmem>> -> memref<64x128xf32, #tpu.memory_space<vmem>>
        %dma_start3A_311 = tpu.memref_slice %arg6[%mul3A_293] : memref<6400xi32, #tpu.memory_space<vmem>> -> memref<64xi32, #tpu.memory_space<vmem>>
        %dma_start3A_312 = arith.constant 0 : i32
        %dma_start3A_313 = arith.constant 0 : i32
        %dma_start3A_314 = tpu.memref_slice %arg4[%dma_start3A_312, %dma_start3A_313] : memref<88714x128xf32, #tpu.memory_space<hbm>> -> memref<88714x128xf32, #tpu.memory_space<hbm>>
        tpu.enqueue_indirect_dma source(%dma_start3A_314 : memref<88714x128xf32, #tpu.memory_space<hbm>>) target(%dma_start3A_310 : memref<64x128xf32, #tpu.memory_space<vmem>>) offsets(%dma_start3A_311 : memref<64xi32, #tpu.memory_space<vmem>>) semaphore(%arg13 : memref<!tpu.dma_semaphore, #tpu.memory_space<semaphore_mem>>)
      } else {
      }
    }
    %scan3A_94 = arith.constant 25 : i32
    %scan3A_95 = arith.constant 0 : i32
    %scan3A_96 = arith.constant 0 : i32
    %scan3A_97 = arith.constant 8 : i32
    %scan3A_98 = arith.addi %scan3A_96, %scan3A_97 : i32
    %scan3A_99 = arith.constant 1 : i32
    scf.for %scan3A_119 = %scan3A_96 to %scan3A_98 step %scan3A_99  : i32 {
      %mul3A_120 = arith.constant 8 : i32
      %mul3A_121 = arith.muli %mul3A_120, %scan3A_119 : i32
      %add3A_122 = arith.constant 768 : i32
      %add3A_123 = arith.addi %select_n3A, %add3A_122 : i32
      %add3A_124 = arith.addi %add3A_123, %scan3A_119 : i32
      %dma_wait3A = arith.constant 0 : i32
      %dma_wait3A_125 = tpu.memref_slice %arg7[%mul3A_121, %dma_wait3A] : memref<64x384xf32, #tpu.memory_space<vmem>> -> memref<8x384xf32, #tpu.memory_space<vmem>>
      %dma_wait3A_126 = arith.constant 0 : i32
      %dma_wait3A_127 = arith.constant 0 : i32
      %dma_wait3A_128 = tpu.memref_slice %arg5[%add3A_124, %dma_wait3A_126, %dma_wait3A_127] : memref<25600x8x384xf32, #tpu.memory_space<hbm>> -> memref<1x8x384xf32, #tpu.memory_space<hbm>>
      %dma_wait3A_129 = tpu.memref_squeeze %dma_wait3A_128 : memref<1x8x384xf32, #tpu.memory_space<hbm>> -> memref<8x384xf32, #tpu.memory_space<hbm>>
      %dma_wait3A_130 = arith.constant 0 : i32
      %dma_wait3A_131 = arith.constant 0 : i32
      %dma_wait3A_132 = tpu.memref_slice %arg5[%add3A_124, %dma_wait3A_130, %dma_wait3A_131] : memref<25600x8x384xf32, #tpu.memory_space<hbm>> -> memref<1x8x384xf32, #tpu.memory_space<hbm>>
      %dma_wait3A_133 = tpu.memref_squeeze %dma_wait3A_132 : memref<1x8x384xf32, #tpu.memory_space<hbm>> -> memref<8x384xf32, #tpu.memory_space<hbm>>
      %dma_wait3A_134 = arith.constant 0 : i32
      %dma_wait3A_135 = tpu.memref_slice %arg7[%mul3A_121, %dma_wait3A_134] : memref<64x384xf32, #tpu.memory_space<vmem>> -> memref<8x384xf32, #tpu.memory_space<vmem>>
      tpu.wait_dma2 semaphore(%arg15 : memref<!tpu.dma_semaphore, #tpu.memory_space<semaphore_mem>>) src(%dma_wait3A_135 : memref<8x384xf32, #tpu.memory_space<vmem>>) dst(%dma_wait3A_133 : memref<8x384xf32, #tpu.memory_space<hbm>>)
    }
    %scan3A_100 = arith.constant 8 : i32
    %scan3A_101 = arith.constant 0 : i32
    %scan3A_102 = arith.constant 0 : i32
    %scan3A_103 = arith.constant 8 : i32
    %scan3A_104 = arith.addi %scan3A_102, %scan3A_103 : i32
    %scan3A_105 = arith.constant 1 : i32
    scf.for %scan3A_119 = %scan3A_102 to %scan3A_104 step %scan3A_105  : i32 {
      %mul3A_120 = arith.constant 8 : i32
      %mul3A_121 = arith.muli %mul3A_120, %scan3A_119 : i32
      %add3A_122 = arith.constant 776 : i32
      %add3A_123 = arith.addi %select_n3A, %add3A_122 : i32
      %add3A_124 = arith.addi %add3A_123, %scan3A_119 : i32
      %dma_wait3A = arith.constant 0 : i32
      %dma_wait3A_125 = tpu.memref_slice %arg8[%mul3A_121, %dma_wait3A] : memref<64x384xf32, #tpu.memory_space<vmem>> -> memref<8x384xf32, #tpu.memory_space<vmem>>
      %dma_wait3A_126 = arith.constant 0 : i32
      %dma_wait3A_127 = arith.constant 0 : i32
      %dma_wait3A_128 = tpu.memref_slice %arg5[%add3A_124, %dma_wait3A_126, %dma_wait3A_127] : memref<25600x8x384xf32, #tpu.memory_space<hbm>> -> memref<1x8x384xf32, #tpu.memory_space<hbm>>
      %dma_wait3A_129 = tpu.memref_squeeze %dma_wait3A_128 : memref<1x8x384xf32, #tpu.memory_space<hbm>> -> memref<8x384xf32, #tpu.memory_space<hbm>>
      %dma_wait3A_130 = arith.constant 0 : i32
      %dma_wait3A_131 = arith.constant 0 : i32
      %dma_wait3A_132 = tpu.memref_slice %arg5[%add3A_124, %dma_wait3A_130, %dma_wait3A_131] : memref<25600x8x384xf32, #tpu.memory_space<hbm>> -> memref<1x8x384xf32, #tpu.memory_space<hbm>>
      %dma_wait3A_133 = tpu.memref_squeeze %dma_wait3A_132 : memref<1x8x384xf32, #tpu.memory_space<hbm>> -> memref<8x384xf32, #tpu.memory_space<hbm>>
      %dma_wait3A_134 = arith.constant 0 : i32
      %dma_wait3A_135 = tpu.memref_slice %arg8[%mul3A_121, %dma_wait3A_134] : memref<64x384xf32, #tpu.memory_space<vmem>> -> memref<8x384xf32, #tpu.memory_space<vmem>>
      tpu.wait_dma2 semaphore(%arg16 : memref<!tpu.dma_semaphore, #tpu.memory_space<semaphore_mem>>) src(%dma_wait3A_135 : memref<8x384xf32, #tpu.memory_space<vmem>>) dst(%dma_wait3A_133 : memref<8x384xf32, #tpu.memory_space<hbm>>)
    }
    %scan3A_106 = arith.constant 8 : i32
    %scan3A_107 = arith.constant 0 : i32
    %scan3A_108 = arith.constant 0 : i32
    %scan3A_109 = arith.constant 8 : i32
    %scan3A_110 = arith.addi %scan3A_108, %scan3A_109 : i32
    %scan3A_111 = arith.constant 1 : i32
    scf.for %scan3A_119 = %scan3A_108 to %scan3A_110 step %scan3A_111  : i32 {
      %mul3A_120 = arith.constant 8 : i32
      %mul3A_121 = arith.muli %mul3A_120, %scan3A_119 : i32
      %add3A_122 = arith.constant 784 : i32
      %add3A_123 = arith.addi %select_n3A, %add3A_122 : i32
      %add3A_124 = arith.addi %add3A_123, %scan3A_119 : i32
      %dma_wait3A = arith.constant 0 : i32
      %dma_wait3A_125 = tpu.memref_slice %arg9[%mul3A_121, %dma_wait3A] : memref<64x384xf32, #tpu.memory_space<vmem>> -> memref<8x384xf32, #tpu.memory_space<vmem>>
      %dma_wait3A_126 = arith.constant 0 : i32
      %dma_wait3A_127 = arith.constant 0 : i32
      %dma_wait3A_128 = tpu.memref_slice %arg5[%add3A_124, %dma_wait3A_126, %dma_wait3A_127] : memref<25600x8x384xf32, #tpu.memory_space<hbm>> -> memref<1x8x384xf32, #tpu.memory_space<hbm>>
      %dma_wait3A_129 = tpu.memref_squeeze %dma_wait3A_128 : memref<1x8x384xf32, #tpu.memory_space<hbm>> -> memref<8x384xf32, #tpu.memory_space<hbm>>
      %dma_wait3A_130 = arith.constant 0 : i32
      %dma_wait3A_131 = arith.constant 0 : i32
      %dma_wait3A_132 = tpu.memref_slice %arg5[%add3A_124, %dma_wait3A_130, %dma_wait3A_131] : memref<25600x8x384xf32, #tpu.memory_space<hbm>> -> memref<1x8x384xf32, #tpu.memory_space<hbm>>
      %dma_wait3A_133 = tpu.memref_squeeze %dma_wait3A_132 : memref<1x8x384xf32, #tpu.memory_space<hbm>> -> memref<8x384xf32, #tpu.memory_space<hbm>>
      %dma_wait3A_134 = arith.constant 0 : i32
      %dma_wait3A_135 = tpu.memref_slice %arg9[%mul3A_121, %dma_wait3A_134] : memref<64x384xf32, #tpu.memory_space<vmem>> -> memref<8x384xf32, #tpu.memory_space<vmem>>
      tpu.wait_dma2 semaphore(%arg17 : memref<!tpu.dma_semaphore, #tpu.memory_space<semaphore_mem>>) src(%dma_wait3A_135 : memref<8x384xf32, #tpu.memory_space<vmem>>) dst(%dma_wait3A_133 : memref<8x384xf32, #tpu.memory_space<hbm>>)
    }
    %scan3A_112 = arith.constant 8 : i32
    %scan3A_113 = arith.constant 0 : i32
    %scan3A_114 = arith.constant 0 : i32
    %scan3A_115 = arith.constant 8 : i32
    %scan3A_116 = arith.addi %scan3A_114, %scan3A_115 : i32
    %scan3A_117 = arith.constant 1 : i32
    scf.for %scan3A_119 = %scan3A_114 to %scan3A_116 step %scan3A_117  : i32 {
      %mul3A_120 = arith.constant 8 : i32
      %mul3A_121 = arith.muli %mul3A_120, %scan3A_119 : i32
      %add3A_122 = arith.constant 792 : i32
      %add3A_123 = arith.addi %select_n3A, %add3A_122 : i32
      %add3A_124 = arith.addi %add3A_123, %scan3A_119 : i32
      %dma_wait3A = arith.constant 0 : i32
      %dma_wait3A_125 = tpu.memref_slice %arg10[%mul3A_121, %dma_wait3A] : memref<64x384xf32, #tpu.memory_space<vmem>> -> memref<8x384xf32, #tpu.memory_space<vmem>>
      %dma_wait3A_126 = arith.constant 0 : i32
      %dma_wait3A_127 = arith.constant 0 : i32
      %dma_wait3A_128 = tpu.memref_slice %arg5[%add3A_124, %dma_wait3A_126, %dma_wait3A_127] : memref<25600x8x384xf32, #tpu.memory_space<hbm>> -> memref<1x8x384xf32, #tpu.memory_space<hbm>>
      %dma_wait3A_129 = tpu.memref_squeeze %dma_wait3A_128 : memref<1x8x384xf32, #tpu.memory_space<hbm>> -> memref<8x384xf32, #tpu.memory_space<hbm>>
      %dma_wait3A_130 = arith.constant 0 : i32
      %dma_wait3A_131 = arith.constant 0 : i32
      %dma_wait3A_132 = tpu.memref_slice %arg5[%add3A_124, %dma_wait3A_130, %dma_wait3A_131] : memref<25600x8x384xf32, #tpu.memory_space<hbm>> -> memref<1x8x384xf32, #tpu.memory_space<hbm>>
      %dma_wait3A_133 = tpu.memref_squeeze %dma_wait3A_132 : memref<1x8x384xf32, #tpu.memory_space<hbm>> -> memref<8x384xf32, #tpu.memory_space<hbm>>
      %dma_wait3A_134 = arith.constant 0 : i32
      %dma_wait3A_135 = tpu.memref_slice %arg10[%mul3A_121, %dma_wait3A_134] : memref<64x384xf32, #tpu.memory_space<vmem>> -> memref<8x384xf32, #tpu.memory_space<vmem>>
      tpu.wait_dma2 semaphore(%arg18 : memref<!tpu.dma_semaphore, #tpu.memory_space<semaphore_mem>>) src(%dma_wait3A_135 : memref<8x384xf32, #tpu.memory_space<vmem>>) dst(%dma_wait3A_133 : memref<8x384xf32, #tpu.memory_space<hbm>>)
    }
    %scan3A_118 = arith.constant 8 : i32
    return
  }
}

</mosaic_0001>

<sc_bundles>
// kernel: kernel.3.cloned.1.call-start
scs
__scs_entry_jumppad:
0x0: {  	(pc) =	sbr.rel $0x88, $3  }
0x1: {  	(tag) =	ssettag $0x0;
	lr =	simm.s32 $0x1  }
0x2: {  	[smem:$0x3F9F] =	sst lr;
	_ =	strace $0xD0000000  }
0x3: {  	_ = 	snop  }
0x4: {  	_ = 	snop  }
0x5: {  	_ = 	snop  }
0x6: {  	_ = 	snop  }
0x7: {  	_ = 	snop  }
__scs_overlays_trampoline_lowered:
0x8: {  	[smem:$0x3FAE] =	sst s0  }
0x9: {  	[smem:$0x3FAF] =	sst s1  }
0xa: {  	[smem:$0x3FB0] =	sst s2  }
0xb: {  	[smem:$0x3FB1] =	sst s3  }
0xc: {  	[smem:$0x3FB2] =	sst s4  }
0xd: {  	[smem:$0x3FB3] =	sst s5  }
0xe: {  	[smem:$0x3FB4] =	sst s6  }
0xf: {  	[smem:$0x3FB5] =	sst s7  }
0x10: {  	[smem:$0x3FB6] =	sst s8  }
0x11: {  	[smem:$0x3FB7] =	sst s9;
	s0 =	simm.s32 @!p0 $0x0  }
0x12: {  	s1 =	sld [smem:$0x3F9D];
	s0 =	simm.s32 @p0 $0x1  }
0x13: {  	[smem:$0x3FB8] =	sst s0;
	s0 =	simm.s32 @!p1 $0x0  }
0x14: {  	s2 =	sld [smem:$0x3F9C];
	s0 =	simm.s32 @p1 $0x1  }
0x15: {  	[smem:$0x3FB9] =	sst s0;
	s0 =	simm.s32 @!p2 $0x0  }
0x16: {  	s3 =	sld [smem:$0x3FDB];
	s0 =	simm.s32 @p2 $0x1  }
0x17: {  	s4 =	simm.s32 $0x1BF5;
	[smem:$0x3FBB] =	sst s0  }
0x18: {  	s0 =	sld [smem:$0x3F9E];
	_ =	swait.ge [sflag:s4], $0x0  }
0x19: {  	s7 =	sld [smem:$0x3F9F]  }
0x1a: {  	s8 =	sadd.s32 $0xFFFFE003, lr  }
0x1b: {  	s9 =	sadd.s32 $0xFFFFFEF7, lr;
	s5 =	simm.s32 $0xFFFFFFFF;
	p2 =	slt.u32 s8, $0xFFFFF086  }
0x1c: {  	p1 =	slt.u32 s9, $0xF7A;
	s5 =	simm.s32 @!p2 $0x0  }
0x1d: {  	s5 =	simm.s32 @p1 $0x1;
	p0 =	seq.s32 s7, s2  }
0x1e: {  	s7 =	smul.u32 @!p0 $0xF7A, s2;
	p2 =	seq.s32 @!p0 s5, $0x0  }
0x1f: {  	s9 =	smul.u32 $0xF7A, s1;
	s8 =	simm.s32 @!p0 $0x1BF5;
	p2 =	por !p2, p0  }
0x20: {  	[sflag:s8] =	ssyncset.s32 @!p0 $0xFFFFF086;
	s6 =	sadd.s32 @!p0 s3, s7;
	s7 =	simm.s32 @!p0 $0x108  }
0x21: {  	s3 =	sadd.s32 s3, s9;
	s6 =	sadd.s32 @!p0 $0x88, s6;
	s7 =	simm.s32 @p2 $0x1082  }
0x22: {  	[simem:s7], [sflag:s8] =	dma.local @!p0 [hbm:s6], $0xF7A  }
0x23: {  	s9 =	sor.u32 $0xD0000000, s2;
	s6 =	simm.s32 $0x108;
	_ =	swait.ge @!p0 [sflag:s8], $0x0  }
0x24: {  	s3 =	sadd.s32 $0x88, s3;
	s6 =	simm.s32 @!p1 $0x1082;
	[sflag:s4] =	ssyncset.s32 $0xFFFFF086  }
0x25: {  	[simem:s6], [sflag:s4] =	dma.local [hbm:s3], $0xF7A  }
0x26: {  	[smem:$0x3F9F] =	sst s1;
	(tag) =	ssettag s2;
	_ =	strace s9  }
0x27: {  	s1 =	sld [smem:$0x3FAF]  }
0x28: {  	s2 =	sld [smem:$0x3FB0]  }
0x29: {  	s4 =	sld [smem:$0x3FB2]  }
0x2a: {  	p0 =	seq.s32 s5, $0x0;
	s5 =	sld [smem:$0x3FB3]  }
0x2b: {  	s6 =	sld [smem:$0x3FB4]  }
0x2c: {  	s7 =	sld [smem:$0x3FB5]  }
0x2d: {  	s3 =	simm.s32 $0x108;
	s8 =	sld [smem:$0x3FB6]  }
0x2e: {  	s3 =	simm.s32 @!p0 $0x1082;
	s9 =	sld [smem:$0x3FB7]  }
0x2f: {  	lr =	sadd.s32 s0, s3;
	s0 =	sld [smem:$0x3FAE]  }
0x30: {  	s3 =	sld [smem:$0x3FB1]  }
0x31: {  	[smem:$0x3FBA] =	sst s10  }
0x32: {  	s10 =	sld [smem:$0x3FB8];
	_ =	sdelay $0x3  }
0x33: {  	p0 =	seq.s32 s10, $0x1;
	s10 =	sld [smem:$0x3FBA];
	_ =	sdelay $0x3  }
0x34: {  	[smem:$0x3FBA] =	sst s10  }
0x35: {  	s10 =	sld [smem:$0x3FB9];
	_ =	sdelay $0x3  }
0x36: {  	p1 =	seq.s32 s10, $0x1;
	s10 =	sld [smem:$0x3FBA];
	_ =	sdelay $0x3  }
0x37: {  	[smem:$0x3FBA] =	sst s10  }
0x38: {  	s10 =	sld [smem:$0x3FBB]  }
0x39: {  	_ = 	snop;
	(pc) =	sbr.ind lr, $3  }
0x3a: {  	_ = 	snop  }
0x3b: {  	_ = 	snop  }
0x3c: {  	p2 =	seq.s32 s10, $0x1;
	s10 =	sld [smem:$0x3FBA]  }
0x3d: {  	_ =	shalt  }
0x3e: {  	_ =	shalt  }
0x3f: {  	_ =	shalt  }
0x40: {  	_ =	shalt  }
0x41: {  	_ =	shalt  }
0x42: {  	_ =	shalt  }
0x43: {  	_ =	shalt  }
0x44: {  	_ =	shalt  }
0x45: {  	_ =	shalt  }
0x46: {  	_ =	shalt  }
0x47: {  	_ =	shalt  }
0x48: {  	_ =	shalt  }
0x49: {  	_ =	shalt  }
0x4a: {  	_ =	shalt  }
0x4b: {  	_ =	shalt  }
0x4c: {  	_ =	shalt  }
0x4d: {  	_ =	shalt  }
0x4e: {  	_ =	shalt  }
0x4f: {  	_ =	shalt  }
0x50: {  	_ =	shalt  }
0x51: {  	_ =	shalt  }
0x52: {  	_ =	shalt  }
0x53: {  	_ =	shalt  }
0x54: {  	_ =	shalt  }
0x55: {  	_ =	shalt  }
0x56: {  	_ =	shalt  }
0x57: {  	_ =	shalt  }
0x58: {  	_ =	shalt  }
0x59: {  	_ =	shalt  }
0x5a: {  	_ =	shalt  }
0x5b: {  	_ =	shalt  }
0x5c: {  	_ =	shalt  }
0x5d: {  	_ =	shalt  }
0x5e: {  	_ =	shalt  }
0x5f: {  	_ =	shalt  }
0x60: {  	_ =	shalt  }
0x61: {  	_ =	shalt  }
0x62: {  	_ =	shalt  }
0x63: {  	_ =	shalt  }
0x64: {  	_ =	shalt  }
0x65: {  	_ =	shalt  }
0x66: {  	_ =	shalt  }
0x67: {  	_ =	shalt  }
0x68: {  	_ =	shalt  }
0x69: {  	_ =	shalt  }
0x6a: {  	_ =	shalt  }
0x6b: {  	_ =	shalt  }
0x6c: {  	_ =	shalt  }
0x6d: {  	_ =	shalt  }
0x6e: {  	_ =	shalt  }
0x6f: {  	_ =	shalt  }
0x70: {  	_ =	shalt  }
0x71: {  	_ =	shalt  }
0x72: {  	_ =	shalt  }
0x73: {  	_ =	shalt  }
0x74: {  	_ =	shalt  }
0x75: {  	_ =	shalt  }
0x76: {  	_ =	shalt  }
0x77: {  	_ =	shalt  }
0x78: {  	_ =	shalt  }
0x79: {  	_ =	shalt  }
0x7a: {  	_ =	shalt  }
0x7b: {  	_ =	shalt  }
0x7c: {  	_ =	shalt  }
0x7d: {  	_ =	shalt  }
0x7e: {  	_ =	shalt  }
0x7f: {  	_ =	shalt  }
0x80: {  	_ =	shalt  }
0x81: {  	_ =	shalt  }
0x82: {  	_ =	shalt  }
0x83: {  	_ =	shalt  }
0x84: {  	_ =	shalt  }
0x85: {  	_ =	shalt  }
0x86: {  	_ =	shalt  }
0x87: {  	_ =	shalt  }
.Lfunc_end0:
.L_simem_size_0:
called_computation.1_lowered:
.L_overlay_start_0:
0x88: {  	s2 =	sld [smem:$0x3FD9]  }
0x89: {  	s3 =	sld [smem:$0x3FFE];
	_ =	sdelay $0x1  }
0x8a: {  	s1 =	srdreg.scid  }
0x8b: {  	s0 =	sand.u32 $0x1, s1  }
0x8c: {  	s17 =	sshll.u32 s0, $0xA;
	s2 =	sadd.s32 s3, s2  }
0x8d: {  	s2 =	sadd.s32 s2, s17  }
0x8e: {  	[smem:$0x3FC6] =	sst s2  }
0x8f: {  	_ = 	snop  }
0x90: {  	s2 =	sld [smem:$0x3FD0];
	(tm) =	ssettm $0x1  }
0x91: {  	s18 =	sld [smem:$0x3FFB];
	_ =	sdelay $0x3  }
0x92: {  	_ =	strace s18  }
0x93: {  	s3 =	sld [smem:$0x3FFC];
	_ =	sdelay $0x3  }
0x94: {  	_ =	strace s3  }
0x95: {  	s3 =	sld [smem:$0x3FFD];
	_ =	sdelay $0x3  }
0x96: {  	_ =	strace s3  }
0x97: {  	_ =	strace $0x8FFFFFFF  }
0x98: {  	s19 =	sld [smem:$0x3FDB];
	_ =	sdelay $0x1  }
0x99: {  	s4 =	simm.s32 $_scs_section_size  }
0x9a: {  	s5 =	simm.s32 $_size__tile_overlayer_lowered;
	s6 =	simm.s32 $_tile_overlayer_lowered  }
0x9b: {  	s22 =	simm.s32 $0x1BFF;
	s21 =	sshll.u32 s6, $0x1;
	s3 =	sadd.s32 s4, s19  }
0x9c: {  	s7 =	simm.s32 $0x0;
	s20 =	sshll.u32 s5, $0x1;
	s5 =	sadd.s32 s21, s3  }
0x9d: {  	[timem:s7], [sflag:s22] =	dma.local [hbm:s5], s20  }
0x9e: {  	_ =	swait.ge [sflag:s22], s20  }
0x9f: {  	s4 =	ssub.s32 $0x0, s20;
	[sflag:s22] =	ssyncset.done $0x0  }
0xa0: {  	[sflag:s22] =	ssyncadd.s32 s4;
	_ =	sdelay $0x1  }
0xa1: {  	s23 =	simm.s32 $0x1B8B  }
0xa2: {  	_ =	swait.ge [sflag:s23], $0x1  }
0xa3: {  	[sflag:s23] =	ssyncset.done $0x0  }
0xa4: {  	s25 =	simm.s32 $0x1B8E;
	s24 =	sld [smem:$0x3FFE];
	[sflag:s23] =	ssyncadd.s32 $0xFFFFFFFF  }
0xa5: {  	s26 =	simm.s32 $execute0_lowered;
	[smem:$0x3FD2] =	sst s25  }
0xa6: {  	s5 =	sshll.u32 s26, $0x1;
	_ =	strace $0x80000046;
	[dreg:$0x1] =	wrdreg $0xFFFFFFFF  }
0xa7: {  	s28 =	simm.s32 $_size_execute0_lowered;
	s3 =	sadd.s32 s3, s5;
	[dreg:$0x0] =	wrdreg $0x0  }
0xa8: {  	s5 =	sshll.u32 s28, $0x1;
	[dreg:$0x2] =	wrdreg s3  }
0xa9: {  	[dreg:$0x3] =	wrdreg s5  }
0xaa: {  	[dreg:$0x4] =	wrdreg $0xC0  }
0xab: {  	_ =	task [dreg:s7], $0x5FFFF  }
0xac: {  	[dreg:$0x1] =	wrdreg $0xFFFFFFFF  }
0xad: {  	[dreg:$0x0] =	wrdreg $0x60  }
0xae: {  	[dreg:$0x2] =	wrdreg s24  }
0xaf: {  	[dreg:$0x3] =	wrdreg s2  }
0xb0: {  	[dreg:$0x4] =	wrdreg $0x9  }
0xb1: {  	_ =	task.clear_ibuf [dreg:s7], $0x5FFFF;
	_ =	strace $0x90000046  }
0xb2: {  	s29 =	simm.s32 $0x9;
	_ =	strace $0x80000048  }
0xb3: {  	_ =	swait.ge [sflag:s29], $0x1  }
0xb4: {  	[sflag:s29] =	ssyncadd.s32 $0xFFFFFFFF  }
0xb5: {  	_ =	strace $0x90000048  }
0xb6: {  	_ =	sfence  }
0xb7: {  	s30 =	sld [smem:$0x0];
	_ =	sdelay $0x2  }
0xb8: {  	s31 =	sshll.u32 s1, $0xD;
	s1 =	sshrl.u32 s1, $0x2  }
0xb9: {  	s3 =	sand.u32 $0x4000, s31;
	s1 =	sadd.s32 s1, s30  }
0xba: {  	s0 =	sor.u32 s3, s0;
	s1 =	sshll.u32 s1, $0x11  }
0xbb: {  	s0 =	sor.u32 s1, s0  }
0xbc: {  	s0 =	sadd.s32 $0x8F2B, s0  }
0xbd: {  	[sflag:s0] =	ssyncadd.remote.s32 $0x1  }
0xbe: {  	_ =	sfence.sel $0xFFFF  }
0xbf: {  	[dreg:$0x0] =	wrdreg $0xFFFFFFFF;
	(pc) =	sbr.abs _section_cstart, $3  }
0xc0: {  	[dreg:$0x1] =	wrdreg $0xFFFFFFFF  }
0xc1: {  	_ =	task.clear_ibuf [dreg:s7], $0x2FFFF;
	_ =	strace $0x9FFFFFFF  }
0xc2: {  	(tm) =	ssettm $0x7FFFFFFF  }
0xc3: {  	_ =	shalt  }
tec
execute0_lowered:
.L_overlay_start_1:
0x0: {  	(tag) =	ssettag $0x1  }
0x1: {  	s0 =	rddreg [dreg:$0x0];
	s1 =	srdreg.scid  }
0x2: {  	s5 =	stileid.u32;
	s2 =	rddreg [dreg:$0x1]  }
0x3: {  	s3 =	simm.s32 $0x0;
	s31 =	simm.s32 $0xD900;
	s28 =	simm.s32 $0x12D00  }
0x4: {  	s29 =	simm.s32 $0x1;
	s30 =	simm.s32 $0x13900;
	s10 =	simm.s32 $0x14500  }
0x5: {  	s11 =	simm.s32 $0x15100;
	s12 =	simm.s32 $0x15D00;
	s13 =	simm.s32 $0x16900  }
0x6: {  	s14 =	simm.s32 $0x17500;
	s15 =	simm.s32 $0x18100;
	s16 =	simm.s32 $0x18D00  }
0x7: {  	s17 =	simm.s32 $0x2;
	s9 =	simm.s32 $0x4;
	s18 =	simm.s32 $0x5  }
0x8: {  	s19 =	simm.s32 $0x6;
	s20 =	simm.s32 $0x7;
	s22 =	simm.s32 $0x0  }
0x9: {  	s1 =	sand.u32 $0x1, s1;
	s4 =	sshll.u32 s5, $0x1;
	[smem:$0x7FF] =	sst s3  }
0xa: {  	s5 =	smul.u32 $0x96000, s5;
	s4 =	sor.u32 s1, s4;
	s6 =	ssub.s32 $0x2, s1  }
0xb: {  	_ =	strace $0x80000047;
	s4 =	smul.u32 $0x320, s4;
	s8 =	sshrl.u32 s6, $0x1  }
0xc: {  	s1 =	smul.u32 $0x4B000, s1;
	s24 =	ssub.s32 s6, s8;
	s6 =	sadd.s32 $0x80, s2  }
0xd: {  	s7 =	sadd.s32 s4, s0;
	s4 =	sadd.s32 $0x161600, s0;
	s0 =	sadd.s32 s5, s0  }
.Ltmp0:
0xe: {  	s26 =	smax.u32 s24, $0x1;
	s5 =	simm.s32 $0xFD00;
	(pc) =	sbr.rel .LBB2_1-.Ltmp0, $4  }
0xf: {  	s24 =	simm.s32 $0x10900;
	s25 =	sadd.s32 $0x800, s7;
	s0 =	sadd.s32 s1, s0  }
0x10: {  	v2 =	vlaneseq.u32;
	[dreg:$0x4] =	wrdreg s26;
	s1 =	simm.s32 $0xE500;
	s26 =	simm.s32 $0x12100  }
0x11: {  	vm0 =	vmmov $0xff;
	v1 =	vshrl.u32 v2, $0x3;
	s7 =	simm.s32 $0x3;
	[dreg:$0x3] =	wrdreg s25;
	s0 =	sadd.s32 $0x2BC000, s0  }
0x12: {  	v0 =	vand.u32 $0x7, v2;
	v2 =	vor.u32 $0x8, v2;
	v1 =	vmul.u32 $0x8, v1;
	s25 =	simm.s32 $0x11500;
	[dreg:$0x5] =	wrdreg s0;
	s0 =	simm.s32 $0xF100  }
.LBB2_8:
0x13: {  	_ =	swait.ge [sflag:s18], $0xC00  }
0x14: {  	[sflag:s18] =	ssyncset.done $0x0  }
0x15: {  	[sflag:s18] =	ssyncadd.s32 $0xFFFFF400  }
0x16: {  	_ =	swait.ge [sflag:s18], $0xC00  }
0x17: {  	[sflag:s18] =	ssyncset.done $0x0  }
0x18: {  	[sflag:s18] =	ssyncadd.s32 $0xFFFFF400  }
0x19: {  	_ =	swait.ge [sflag:s18], $0xC00  }
0x1a: {  	[sflag:s18] =	ssyncset.done $0x0  }
0x1b: {  	[sflag:s18] =	ssyncadd.s32 $0xFFFFF400  }
0x1c: {  	_ =	swait.ge [sflag:s18], $0xC00  }
0x1d: {  	[sflag:s18] =	ssyncset.done $0x0  }
0x1e: {  	[sflag:s18] =	ssyncadd.s32 $0xFFFFF400  }
0x1f: {  	_ =	swait.ge [sflag:s18], $0xC00  }
0x20: {  	[sflag:s18] =	ssyncset.done $0x0  }
0x21: {  	[sflag:s18] =	ssyncadd.s32 $0xFFFFF400  }
0x22: {  	_ =	swait.ge [sflag:s18], $0xC00  }
0x23: {  	[sflag:s18] =	ssyncset.done $0x0  }
0x24: {  	[sflag:s18] =	ssyncadd.s32 $0xFFFFF400  }
0x25: {  	_ =	swait.ge [sflag:s18], $0xC00  }
0x26: {  	[sflag:s18] =	ssyncset.done $0x0  }
0x27: {  	[sflag:s18] =	ssyncadd.s32 $0xFFFFF400  }
0x28: {  	_ =	swait.ge [sflag:s18], $0xC00  }
0x29: {  	[sflag:s18] =	ssyncset.done $0x0  }
0x2a: {  	[sflag:s18] =	ssyncadd.s32 $0xFFFFF400  }
0x2b: {  	_ =	swait.ge [sflag:s19], $0xC00  }
0x2c: {  	[sflag:s19] =	ssyncset.done $0x0  }
0x2d: {  	[sflag:s19] =	ssyncadd.s32 $0xFFFFF400  }
0x2e: {  	_ =	swait.ge [sflag:s19], $0xC00  }
0x2f: {  	[sflag:s19] =	ssyncset.done $0x0  }
0x30: {  	[sflag:s19] =	ssyncadd.s32 $0xFFFFF400  }
0x31: {  	_ =	swait.ge [sflag:s19], $0xC00  }
0x32: {  	[sflag:s19] =	ssyncset.done $0x0  }
0x33: {  	[sflag:s19] =	ssyncadd.s32 $0xFFFFF400  }
0x34: {  	_ =	swait.ge [sflag:s19], $0xC00  }
0x35: {  	[sflag:s19] =	ssyncset.done $0x0  }
0x36: {  	[sflag:s19] =	ssyncadd.s32 $0xFFFFF400  }
0x37: {  	_ =	swait.ge [sflag:s19], $0xC00  }
0x38: {  	[sflag:s19] =	ssyncset.done $0x0  }
0x39: {  	[sflag:s19] =	ssyncadd.s32 $0xFFFFF400  }
0x3a: {  	_ =	swait.ge [sflag:s19], $0xC00  }
0x3b: {  	[sflag:s19] =	ssyncset.done $0x0  }
0x3c: {  	[sflag:s19] =	ssyncadd.s32 $0xFFFFF400  }
0x3d: {  	_ =	swait.ge [sflag:s19], $0xC00  }
0x3e: {  	[sflag:s19] =	ssyncset.done $0x0  }
0x3f: {  	[sflag:s19] =	ssyncadd.s32 $0xFFFFF400  }
0x40: {  	_ =	swait.ge [sflag:s19], $0xC00  }
0x41: {  	[sflag:s19] =	ssyncset.done $0x0  }
0x42: {  	[sflag:s19] =	ssyncadd.s32 $0xFFFFF400  }
0x43: {  	_ =	swait.ge [sflag:s20], $0xC00  }
0x44: {  	[sflag:s20] =	ssyncset.done $0x0  }
0x45: {  	[sflag:s20] =	ssyncadd.s32 $0xFFFFF400  }
0x46: {  	_ =	swait.ge [sflag:s20], $0xC00  }
0x47: {  	[sflag:s20] =	ssyncset.done $0x0  }
0x48: {  	[sflag:s20] =	ssyncadd.s32 $0xFFFFF400  }
0x49: {  	_ =	swait.ge [sflag:s20], $0xC00  }
0x4a: {  	[sflag:s20] =	ssyncset.done $0x0  }
0x4b: {  	[sflag:s20] =	ssyncadd.s32 $0xFFFFF400  }
0x4c: {  	_ =	swait.ge [sflag:s20], $0xC00  }
0x4d: {  	[sflag:s20] =	ssyncset.done $0x0  }
0x4e: {  	[sflag:s20] =	ssyncadd.s32 $0xFFFFF400  }
0x4f: {  	_ =	swait.ge [sflag:s20], $0xC00  }
0x50: {  	[sflag:s20] =	ssyncset.done $0x0  }
0x51: {  	[sflag:s20] =	ssyncadd.s32 $0xFFFFF400  }
0x52: {  	_ =	swait.ge [sflag:s20], $0xC00  }
0x53: {  	[sflag:s20] =	ssyncset.done $0x0  }
0x54: {  	[sflag:s20] =	ssyncadd.s32 $0xFFFFF400  }
0x55: {  	_ =	swait.ge [sflag:s20], $0xC00  }
0x56: {  	[sflag:s20] =	ssyncset.done $0x0  }
0x57: {  	[sflag:s20] =	ssyncadd.s32 $0xFFFFF400  }
0x58: {  	_ =	swait.ge [sflag:s20], $0xC00  }
0x59: {  	[sflag:s20] =	ssyncset.done $0x0  }
0x5a: {  	s21 =	simm.s32 $0x8;
	[sflag:s20] =	ssyncadd.s32 $0xFFFFF400  }
0x5b: {  	_ =	swait.ge [sflag:s21], $0xC00  }
0x5c: {  	[sflag:s21] =	ssyncset.done $0x0  }
0x5d: {  	[sflag:s21] =	ssyncadd.s32 $0xFFFFF400  }
0x5e: {  	_ =	swait.ge [sflag:s21], $0xC00  }
0x5f: {  	[sflag:s21] =	ssyncset.done $0x0  }
0x60: {  	[sflag:s21] =	ssyncadd.s32 $0xFFFFF400  }
0x61: {  	_ =	swait.ge [sflag:s21], $0xC00  }
0x62: {  	[sflag:s21] =	ssyncset.done $0x0  }
0x63: {  	[sflag:s21] =	ssyncadd.s32 $0xFFFFF400  }
0x64: {  	_ =	swait.ge [sflag:s21], $0xC00  }
0x65: {  	[sflag:s21] =	ssyncset.done $0x0  }
0x66: {  	[sflag:s21] =	ssyncadd.s32 $0xFFFFF400  }
0x67: {  	_ =	swait.ge [sflag:s21], $0xC00  }
0x68: {  	[sflag:s21] =	ssyncset.done $0x0  }
0x69: {  	[sflag:s21] =	ssyncadd.s32 $0xFFFFF400  }
0x6a: {  	_ =	swait.ge [sflag:s21], $0xC00  }
0x6b: {  	[sflag:s21] =	ssyncset.done $0x0  }
0x6c: {  	[sflag:s21] =	ssyncadd.s32 $0xFFFFF400  }
0x6d: {  	_ =	swait.ge [sflag:s21], $0xC00  }
0x6e: {  	[sflag:s21] =	ssyncset.done $0x0  }
0x6f: {  	[sflag:s21] =	ssyncadd.s32 $0xFFFFF400  }
0x70: {  	_ =	swait.ge [sflag:s21], $0xC00  }
0x71: {  	s22 =	rddreg [dreg:$0x6]  }
0x72: {  	s8 =	rddreg [dreg:$0x4];
	s22 =	sadd.s32 $0x1, s22  }
0x73: {  	p0 =	sne.s32 s22, s8  }
.Ltmp1:
0x74: {  	_ = 	snop;
	(pc) =	sbr.rel @!p0 .LBB2_9-.Ltmp1, $3  }
0x75: {  	_ =	sdelay $0x1  }
0x76: {  	[sflag:s21] =	ssyncset.done $0x0  }
0x77: {  	[sflag:s21] =	ssyncadd.s32 $0xFFFFF400  }
.LBB2_1:
0x78: {  	[dreg:$0x6] =	wrdreg s22  }
0x79: {  	s8 =	rddreg [dreg:$0x3];
	s23 =	simm.s32 $0x9  }
0x7a: {  	[tilespmem:s3], [sflag:$0x9] =	stream.linear.gather [hbm4b:s8+s3], $0x1900, $0x38;
	[tilespmem:$0x19900] =	vst v63  }
0x7b: {  	_ =	swait.ge [sflag:s23], $0x1900  }
0x7c: {  	[sflag:s23] =	ssyncset.done $0x0  }
0x7d: {  	[sflag:s23] =	ssyncadd.s32 $0xFFFFE700  }
0x7e: {  	v3 =	vld [tilespmem:$0x0];
	_ =	sdelay $0x4  }
0x7f: {  	v4 =	vshrl.u32 v3, $0x3  }
0x80: {  	v4 =	vmul.u32 $0x18, v4  }
0x81: {  	v3 =	vand.u32 $0x7, v3  }
0x82: {  	v3 =	vor.u32 v3, v4  }
0x83: {  	v4 =	vperm.xlane v3, v0;
	_ =	sdelay $0x1  }
0x84: {  	v3 =	vperm.xlane v3, v2;
	v4 =	vadd.s32 v1, v4;
	_ =	sdelay $0x1  }
0x85: {  	v3 =	vadd.s32 v1, v3;
	_ =	sdelay $0x1  }
0x86: {  	s21 =	simm.s32 $0x1900  }
0x87: {  	[tilespmem:s21], [sflag:$0x1] =	stream.indirect_vreg.gather [hbm4b:s2+s3], $0x80, v4, vm0, $0xb8;
	[tilespmem:$0x19900] =	vst v63  }
0x88: {  	s22 =	simm.s32 $0x2500  }
0x89: {  	[tilespmem:s22], [sflag:$0x1] =	stream.indirect_vreg.gather [hbm4b:s2+s3], $0x80, v3, vm0, $0xb8;
	[tilespmem:$0x19900] =	vst v63  }
0x8a: {  	v3 =	vld [tilespmem:$0x10];
	_ =	sdelay $0x4  }
0x8b: {  	v29 =	vshrl.u32 v3, $0x3  }
0x8c: {  	v4 =	vmul.u32 $0x18, v29  }
0x8d: {  	v3 =	vand.u32 $0x7, v3  }
0x8e: {  	v3 =	vor.u32 v3, v4  }
0x8f: {  	v4 =	vperm.xlane v3, v0;
	_ =	sdelay $0x1  }
0x90: {  	v3 =	vperm.xlane v3, v2;
	v4 =	vadd.s32 v1, v4;
	_ =	sdelay $0x1  }
0x91: {  	v3 =	vadd.s32 v1, v3;
	_ =	sdelay $0x1  }
0x92: {  	s23 =	simm.s32 $0x3100  }
0x93: {  	[tilespmem:s23], [sflag:$0x1] =	stream.indirect_vreg.gather [hbm4b:s2+s3], $0x80, v4, vm0, $0xb8;
	[tilespmem:$0x19900] =	vst v63  }
0x94: {  	s21 =	simm.s32 $0x3D00  }
0x95: {  	[tilespmem:s21], [sflag:$0x1] =	stream.indirect_vreg.gather [hbm4b:s2+s3], $0x80, v3, vm0, $0xb8;
	[tilespmem:$0x19900] =	vst v63  }
0x96: {  	v3 =	vld [tilespmem:$0x20];
	_ =	sdelay $0x4  }
0x97: {  	v30 =	vshrl.u32 v3, $0x3  }
0x98: {  	v4 =	vmul.u32 $0x18, v30  }
0x99: {  	v3 =	vand.u32 $0x7, v3  }
0x9a: {  	v3 =	vor.u32 v3, v4  }
0x9b: {  	v4 =	vperm.xlane v3, v0;
	_ =	sdelay $0x1  }
0x9c: {  	v3 =	vperm.xlane v3, v2;
	v4 =	vadd.s32 v1, v4;
	_ =	sdelay $0x1  }
0x9d: {  	v3 =	vadd.s32 v1, v3;
	_ =	sdelay $0x1  }
0x9e: {  	s22 =	simm.s32 $0x4900  }
0x9f: {  	[tilespmem:s22], [sflag:$0x1] =	stream.indirect_vreg.gather [hbm4b:s2+s3], $0x80, v4, vm0, $0xb8;
	[tilespmem:$0x19900] =	vst v63  }
0xa0: {  	s23 =	simm.s32 $0x5500  }
0xa1: {  	[tilespmem:s23], [sflag:$0x1] =	stream.indirect_vreg.gather [hbm4b:s2+s3], $0x80, v3, vm0, $0xb8;
	[tilespmem:$0x19900] =	vst v63  }
0xa2: {  	v3 =	vld [tilespmem:$0x30];
	_ =	sdelay $0x4  }
0xa3: {  	v31 =	vshrl.u32 v3, $0x3  }
0xa4: {  	v4 =	vmul.u32 $0x18, v31  }
0xa5: {  	v3 =	vand.u32 $0x7, v3  }
0xa6: {  	v3 =	vor.u32 v3, v4  }
0xa7: {  	v4 =	vperm.xlane v3, v0;
	_ =	sdelay $0x1  }
0xa8: {  	v3 =	vperm.xlane v3, v2;
	v4 =	vadd.s32 v1, v4;
	_ =	sdelay $0x1  }
0xa9: {  	v3 =	vadd.s32 v1, v3;
	_ =	sdelay $0x1  }
0xaa: {  	s21 =	simm.s32 $0x6100  }
0xab: {  	[tilespmem:s21], [sflag:$0x1] =	stream.indirect_vreg.gather [hbm4b:s2+s3], $0x80, v4, vm0, $0xb8;
	[tilespmem:$0x19900] =	vst v63  }
0xac: {  	s22 =	simm.s32 $0x6D00  }
0xad: {  	[tilespmem:s22], [sflag:$0x1] =	stream.indirect_vreg.gather [hbm4b:s2+s3], $0x80, v3, vm0, $0xb8;
	[tilespmem:$0x19900] =	vst v63  }
0xae: {  	v3 =	vld [tilespmem:$0x0];
	_ =	sdelay $0x4  }
0xaf: {  	v32 =	vshrl.u32 v3, $0x3  }
0xb0: {  	v4 =	vmul.u32 $0x18, v32  }
0xb1: {  	v3 =	vand.u32 $0x7, v3  }
0xb2: {  	v3 =	vor.u32 v3, v4  }
0xb3: {  	v4 =	vperm.xlane v3, v0;
	_ =	sdelay $0x1  }
0xb4: {  	v3 =	vperm.xlane v3, v2;
	v4 =	vadd.s32 v1, v4;
	_ =	sdelay $0x1  }
0xb5: {  	v3 =	vadd.s32 v1, v3;
	_ =	sdelay $0x1  }
0xb6: {  	s23 =	simm.s32 $0x1D00  }
0xb7: {  	[tilespmem:s23], [sflag:$0x1] =	stream.indirect_vreg.gather [hbm4b:s6+s3], $0x80, v4, vm0, $0xb8;
	[tilespmem:$0x19900] =	vst v63  }
0xb8: {  	s21 =	simm.s32 $0x2900  }
0xb9: {  	[tilespmem:s21], [sflag:$0x1] =	stream.indirect_vreg.gather [hbm4b:s6+s3], $0x80, v3, vm0, $0xb8;
	[tilespmem:$0x19900] =	vst v63  }
0xba: {  	v3 =	vld [tilespmem:$0x10];
	_ =	sdelay $0x4  }
0xbb: {  	v33 =	vshrl.u32 v3, $0x3  }
0xbc: {  	v4 =	vmul.u32 $0x18, v33  }
0xbd: {  	v3 =	vand.u32 $0x7, v3  }
0xbe: {  	v3 =	vor.u32 v3, v4  }
0xbf: {  	v4 =	vperm.xlane v3, v0;
	_ =	sdelay $0x1  }
0xc0: {  	v3 =	vperm.xlane v3, v2;
	v4 =	vadd.s32 v1, v4;
	_ =	sdelay $0x1  }
0xc1: {  	v3 =	vadd.s32 v1, v3;
	_ =	sdelay $0x1  }
0xc2: {  	s22 =	simm.s32 $0x3500  }
0xc3: {  	[tilespmem:s22], [sflag:$0x1] =	stream.indirect_vreg.gather [hbm4b:s6+s3], $0x80, v4, vm0, $0xb8;
	[tilespmem:$0x19900] =	vst v63  }
0xc4: {  	s23 =	simm.s32 $0x4100  }
0xc5: {  	[tilespmem:s23], [sflag:$0x1] =	stream.indirect_vreg.gather [hbm4b:s6+s3], $0x80, v3, vm0, $0xb8;
	[tilespmem:$0x19900] =	vst v63  }
0xc6: {  	v3 =	vld [tilespmem:$0x20];
	_ =	sdelay $0x4  }
0xc7: {  	v34 =	vshrl.u32 v3, $0x3  }
0xc8: {  	v4 =	vmul.u32 $0x18, v34  }
0xc9: {  	v3 =	vand.u32 $0x7, v3  }
0xca: {  	v3 =	vor.u32 v3, v4  }
0xcb: {  	v4 =	vperm.xlane v3, v0;
	_ =	sdelay $0x1  }
0xcc: {  	v3 =	vperm.xlane v3, v2;
	v4 =	vadd.s32 v1, v4;
	_ =	sdelay $0x1  }
0xcd: {  	v3 =	vadd.s32 v1, v3;
	_ =	sdelay $0x1  }
0xce: {  	s21 =	simm.s32 $0x4D00  }
0xcf: {  	[tilespmem:s21], [sflag:$0x1] =	stream.indirect_vreg.gather [hbm4b:s6+s3], $0x80, v4, vm0, $0xb8;
	[tilespmem:$0x19900] =	vst v63  }
0xd0: {  	s22 =	simm.s32 $0x5900  }
0xd1: {  	[tilespmem:s22], [sflag:$0x1] =	stream.indirect_vreg.gather [hbm4b:s6+s3], $0x80, v3, vm0, $0xb8;
	[tilespmem:$0x19900] =	vst v63  }
0xd2: {  	v3 =	vld [tilespmem:$0x30];
	_ =	sdelay $0x4  }
0xd3: {  	v35 =	vshrl.u32 v3, $0x3  }
0xd4: {  	v4 =	vmul.u32 $0x18, v35  }
0xd5: {  	v3 =	vand.u32 $0x7, v3  }
0xd6: {  	v3 =	vor.u32 v3, v4  }
0xd7: {  	v4 =	vperm.xlane v3, v0;
	_ =	sdelay $0x1  }
0xd8: {  	v3 =	vperm.xlane v3, v2;
	v4 =	vadd.s32 v1, v4;
	_ =	sdelay $0x1  }
0xd9: {  	v3 =	vadd.s32 v1, v3;
	_ =	sdelay $0x1  }
0xda: {  	s23 =	simm.s32 $0x6500  }
0xdb: {  	[tilespmem:s23], [sflag:$0x1] =	stream.indirect_vreg.gather [hbm4b:s6+s3], $0x80, v4, vm0, $0xb8;
	[tilespmem:$0x19900] =	vst v63  }
0xdc: {  	s21 =	simm.s32 $0x7100  }
0xdd: {  	[tilespmem:s21], [sflag:$0x1] =	stream.indirect_vreg.gather [hbm4b:s6+s3], $0x80, v3, vm0, $0xb8;
	[tilespmem:$0x19900] =	vst v63  }
0xde: {  	v3 =	vld [tilespmem:$0x0];
	_ =	sdelay $0x4  }
0xdf: {  	v36 =	vperm.xlane v3, v0;
	_ =	sdelay $0x1  }
0xe0: {  	v3 =	vperm.xlane v3, v2;
	v4 =	vadd.s32 v1, v36;
	_ =	sdelay $0x1  }
0xe1: {  	v3 =	vadd.s32 v1, v3;
	_ =	sdelay $0x1  }
0xe2: {  	s22 =	simm.s32 $0x2100  }
0xe3: {  	[tilespmem:s22], [sflag:$0x1] =	stream.indirect_vreg.gather [hbm4b:s4+s3], $0x80, v4, vm0, $0xb8;
	[tilespmem:$0x19900] =	vst v63  }
0xe4: {  	s23 =	simm.s32 $0x2D00  }
0xe5: {  	[tilespmem:s23], [sflag:$0x1] =	stream.indirect_vreg.gather [hbm4b:s4+s3], $0x80, v3, vm0, $0xb8;
	[tilespmem:$0x19900] =	vst v63  }
0xe6: {  	v3 =	vld [tilespmem:$0x10];
	_ =	sdelay $0x4  }
0xe7: {  	v37 =	vperm.xlane v3, v0;
	_ =	sdelay $0x1  }
0xe8: {  	v3 =	vperm.xlane v3, v2;
	v4 =	vadd.s32 v1, v37;
	_ =	sdelay $0x1  }
0xe9: {  	v3 =	vadd.s32 v1, v3;
	_ =	sdelay $0x1  }
0xea: {  	s21 =	simm.s32 $0x3900  }
0xeb: {  	[tilespmem:s21], [sflag:$0x1] =	stream.indirect_vreg.gather [hbm4b:s4+s3], $0x80, v4, vm0, $0xb8;
	[tilespmem:$0x19900] =	vst v63  }
0xec: {  	s22 =	simm.s32 $0x4500  }
0xed: {  	[tilespmem:s22], [sflag:$0x1] =	stream.indirect_vreg.gather [hbm4b:s4+s3], $0x80, v3, vm0, $0xb8;
	[tilespmem:$0x19900] =	vst v63  }
0xee: {  	v3 =	vld [tilespmem:$0x20];
	_ =	sdelay $0x4  }
0xef: {  	v38 =	vperm.xlane v3, v0;
	_ =	sdelay $0x1  }
0xf0: {  	v3 =	vperm.xlane v3, v2;
	v4 =	vadd.s32 v1, v38;
	_ =	sdelay $0x1  }
0xf1: {  	v3 =	vadd.s32 v1, v3;
	_ =	sdelay $0x1  }
0xf2: {  	s23 =	simm.s32 $0x5100  }
0xf3: {  	[tilespmem:s23], [sflag:$0x1] =	stream.indirect_vreg.gather [hbm4b:s4+s3], $0x80, v4, vm0, $0xb8;
	[tilespmem:$0x19900] =	vst v63  }
0xf4: {  	s21 =	simm.s32 $0x5D00  }
0xf5: {  	[tilespmem:s21], [sflag:$0x1] =	stream.indirect_vreg.gather [hbm4b:s4+s3], $0x80, v3, vm0, $0xb8;
	[tilespmem:$0x19900] =	vst v63  }
0xf6: {  	v3 =	vld [tilespmem:$0x30];
	_ =	sdelay $0x4  }
0xf7: {  	v39 =	vperm.xlane v3, v0;
	_ =	sdelay $0x1  }
0xf8: {  	v3 =	vperm.xlane v3, v2;
	v4 =	vadd.s32 v1, v39;
	_ =	sdelay $0x1  }
0xf9: {  	v3 =	vadd.s32 v1, v3;
	_ =	sdelay $0x1  }
0xfa: {  	s22 =	simm.s32 $0x6900  }
0xfb: {  	[tilespmem:s22], [sflag:$0x1] =	stream.indirect_vreg.gather [hbm4b:s4+s3], $0x80, v4, vm0, $0xb8;
	[tilespmem:$0x19900] =	vst v63  }
0xfc: {  	s23 =	simm.s32 $0x7500  }
0xfd: {  	[tilespmem:s23], [sflag:$0x1] =	stream.indirect_vreg.gather [hbm4b:s4+s3], $0x80, v3, vm0, $0xb8;
	[tilespmem:$0x19900] =	vst v63  }
0xfe: {  	v3 =	vld [tilespmem:$0x40];
	_ =	sdelay $0x4  }
0xff: {  	v40 =	vshrl.u32 v3, $0x3  }
0x100: {  	v4 =	vmul.u32 $0x18, v40  }
0x101: {  	v3 =	vand.u32 $0x7, v3  }
0x102: {  	v3 =	vor.u32 v3, v4  }
0x103: {  	v4 =	vperm.xlane v3, v0;
	_ =	sdelay $0x1  }
0x104: {  	v3 =	vperm.xlane v3, v2;
	v4 =	vadd.s32 v1, v4;
	_ =	sdelay $0x1  }
0x105: {  	v3 =	vadd.s32 v1, v3;
	_ =	sdelay $0x1  }
0x106: {  	s21 =	simm.s32 $0x7900  }
0x107: {  	[tilespmem:s21], [sflag:$0x2] =	stream.indirect_vreg.gather [hbm4b:s2+s3], $0x80, v4, vm0, $0xb8;
	[tilespmem:$0x19900] =	vst v63  }
0x108: {  	s22 =	simm.s32 $0x8500  }
0x109: {  	[tilespmem:s22], [sflag:$0x2] =	stream.indirect_vreg.gather [hbm4b:s2+s3], $0x80, v3, vm0, $0xb8;
	[tilespmem:$0x19900] =	vst v63  }
0x10a: {  	v3 =	vld [tilespmem:$0x50];
	_ =	sdelay $0x4  }
0x10b: {  	v41 =	vshrl.u32 v3, $0x3  }
0x10c: {  	v4 =	vmul.u32 $0x18, v41  }
0x10d: {  	v3 =	vand.u32 $0x7, v3  }
0x10e: {  	v3 =	vor.u32 v3, v4  }
0x10f: {  	v4 =	vperm.xlane v3, v0;
	_ =	sdelay $0x1  }
0x110: {  	v3 =	vperm.xlane v3, v2;
	v4 =	vadd.s32 v1, v4;
	_ =	sdelay $0x1  }
0x111: {  	v3 =	vadd.s32 v1, v3;
	_ =	sdelay $0x1  }
0x112: {  	s23 =	simm.s32 $0x9100  }
0x113: {  	[tilespmem:s23], [sflag:$0x2] =	stream.indirect_vreg.gather [hbm4b:s2+s3], $0x80, v4, vm0, $0xb8;
	[tilespmem:$0x19900] =	vst v63  }
0x114: {  	s21 =	simm.s32 $0x9D00  }
0x115: {  	[tilespmem:s21], [sflag:$0x2] =	stream.indirect_vreg.gather [hbm4b:s2+s3], $0x80, v3, vm0, $0xb8;
	[tilespmem:$0x19900] =	vst v63  }
0x116: {  	v3 =	vld [tilespmem:$0x60];
	_ =	sdelay $0x4  }
0x117: {  	v42 =	vshrl.u32 v3, $0x3  }
0x118: {  	v4 =	vmul.u32 $0x18, v42  }
0x119: {  	v3 =	vand.u32 $0x7, v3  }
0x11a: {  	v3 =	vor.u32 v3, v4  }
0x11b: {  	v4 =	vperm.xlane v3, v0;
	_ =	sdelay $0x1  }
0x11c: {  	v3 =	vperm.xlane v3, v2;
	v4 =	vadd.s32 v1, v4;
	_ =	sdelay $0x1  }
0x11d: {  	v3 =	vadd.s32 v1, v3;
	_ =	sdelay $0x1  }
0x11e: {  	s22 =	simm.s32 $0xA900  }
0x11f: {  	[tilespmem:s22], [sflag:$0x2] =	stream.indirect_vreg.gather [hbm4b:s2+s3], $0x80, v4, vm0, $0xb8;
	[tilespmem:$0x19900] =	vst v63  }
0x120: {  	s23 =	simm.s32 $0xB500  }
0x121: {  	[tilespmem:s23], [sflag:$0x2] =	stream.indirect_vreg.gather [hbm4b:s2+s3], $0x80, v3, vm0, $0xb8;
	[tilespmem:$0x19900] =	vst v63  }
0x122: {  	v3 =	vld [tilespmem:$0x70];
	_ =	sdelay $0x4  }
0x123: {  	v43 =	vshrl.u32 v3, $0x3  }
0x124: {  	v4 =	vmul.u32 $0x18, v43  }
0x125: {  	v3 =	vand.u32 $0x7, v3  }
0x126: {  	v3 =	vor.u32 v3, v4  }
0x127: {  	v4 =	vperm.xlane v3, v0;
	_ =	sdelay $0x1  }
0x128: {  	v3 =	vperm.xlane v3, v2;
	v4 =	vadd.s32 v1, v4;
	_ =	sdelay $0x1  }
0x129: {  	v3 =	vadd.s32 v1, v3;
	_ =	sdelay $0x1  }
0x12a: {  	s21 =	simm.s32 $0xC100  }
0x12b: {  	[tilespmem:s21], [sflag:$0x2] =	stream.indirect_vreg.gather [hbm4b:s2+s3], $0x80, v4, vm0, $0xb8;
	[tilespmem:$0x19900] =	vst v63  }
0x12c: {  	s22 =	simm.s32 $0xCD00  }
0x12d: {  	[tilespmem:s22], [sflag:$0x2] =	stream.indirect_vreg.gather [hbm4b:s2+s3], $0x80, v3, vm0, $0xb8;
	[tilespmem:$0x19900] =	vst v63  }
0x12e: {  	v3 =	vld [tilespmem:$0x40];
	_ =	sdelay $0x4  }
0x12f: {  	v44 =	vshrl.u32 v3, $0x3  }
0x130: {  	v4 =	vmul.u32 $0x18, v44  }
0x131: {  	v3 =	vand.u32 $0x7, v3  }
0x132: {  	v3 =	vor.u32 v3, v4  }
0x133: {  	v4 =	vperm.xlane v3, v0;
	_ =	sdelay $0x1  }
0x134: {  	v3 =	vperm.xlane v3, v2;
	v4 =	vadd.s32 v1, v4;
	_ =	sdelay $0x1  }
0x135: {  	v3 =	vadd.s32 v1, v3;
	_ =	sdelay $0x1  }
0x136: {  	s23 =	simm.s32 $0x7D00  }
0x137: {  	[tilespmem:s23], [sflag:$0x2] =	stream.indirect_vreg.gather [hbm4b:s6+s3], $0x80, v4, vm0, $0xb8;
	[tilespmem:$0x19900] =	vst v63  }
0x138: {  	s21 =	simm.s32 $0x8900  }
0x139: {  	[tilespmem:s21], [sflag:$0x2] =	stream.indirect_vreg.gather [hbm4b:s6+s3], $0x80, v3, vm0, $0xb8;
	[tilespmem:$0x19900] =	vst v63  }
0x13a: {  	v3 =	vld [tilespmem:$0x50];
	_ =	sdelay $0x4  }
0x13b: {  	v45 =	vshrl.u32 v3, $0x3  }
0x13c: {  	v4 =	vmul.u32 $0x18, v45  }
0x13d: {  	v3 =	vand.u32 $0x7, v3  }
0x13e: {  	v3 =	vor.u32 v3, v4  }
0x13f: {  	v4 =	vperm.xlane v3, v0;
	_ =	sdelay $0x1  }
0x140: {  	v3 =	vperm.xlane v3, v2;
	v4 =	vadd.s32 v1, v4;
	_ =	sdelay $0x1  }
0x141: {  	v3 =	vadd.s32 v1, v3;
	_ =	sdelay $0x1  }
0x142: {  	s22 =	simm.s32 $0x9500  }
0x143: {  	[tilespmem:s22], [sflag:$0x2] =	stream.indirect_vreg.gather [hbm4b:s6+s3], $0x80, v4, vm0, $0xb8;
	[tilespmem:$0x19900] =	vst v63  }
0x144: {  	s23 =	simm.s32 $0xA100  }
0x145: {  	[tilespmem:s23], [sflag:$0x2] =	stream.indirect_vreg.gather [hbm4b:s6+s3], $0x80, v3, vm0, $0xb8;
	[tilespmem:$0x19900] =	vst v63  }
0x146: {  	v3 =	vld [tilespmem:$0x60];
	_ =	sdelay $0x4  }
0x147: {  	v46 =	vshrl.u32 v3, $0x3  }
0x148: {  	v4 =	vmul.u32 $0x18, v46  }
0x149: {  	v3 =	vand.u32 $0x7, v3  }
0x14a: {  	v3 =	vor.u32 v3, v4  }
0x14b: {  	v4 =	vperm.xlane v3, v0;
	_ =	sdelay $0x1  }
0x14c: {  	v3 =	vperm.xlane v3, v2;
	v4 =	vadd.s32 v1, v4;
	_ =	sdelay $0x1  }
0x14d: {  	v3 =	vadd.s32 v1, v3;
	_ =	sdelay $0x1  }
0x14e: {  	s21 =	simm.s32 $0xAD00  }
0x14f: {  	[tilespmem:s21], [sflag:$0x2] =	stream.indirect_vreg.gather [hbm4b:s6+s3], $0x80, v4, vm0, $0xb8;
	[tilespmem:$0x19900] =	vst v63  }
0x150: {  	s22 =	simm.s32 $0xB900  }
0x151: {  	[tilespmem:s22], [sflag:$0x2] =	stream.indirect_vreg.gather [hbm4b:s6+s3], $0x80, v3, vm0, $0xb8;
	[tilespmem:$0x19900] =	vst v63  }
0x152: {  	v3 =	vld [tilespmem:$0x70];
	_ =	sdelay $0x4  }
0x153: {  	v47 =	vshrl.u32 v3, $0x3  }
0x154: {  	v4 =	vmul.u32 $0x18, v47  }
0x155: {  	v3 =	vand.u32 $0x7, v3  }
0x156: {  	v3 =	vor.u32 v3, v4  }
0x157: {  	v4 =	vperm.xlane v3, v0;
	_ =	sdelay $0x1  }
0x158: {  	v3 =	vperm.xlane v3, v2;
	v4 =	vadd.s32 v1, v4;
	_ =	sdelay $0x1  }
0x159: {  	v3 =	vadd.s32 v1, v3;
	_ =	sdelay $0x1  }
0x15a: {  	s23 =	simm.s32 $0xC500  }
0x15b: {  	[tilespmem:s23], [sflag:$0x2] =	stream.indirect_vreg.gather [hbm4b:s6+s3], $0x80, v4, vm0, $0xb8;
	[tilespmem:$0x19900] =	vst v63  }
0x15c: {  	s21 =	simm.s32 $0xD100  }
0x15d: {  	[tilespmem:s21], [sflag:$0x2] =	stream.indirect_vreg.gather [hbm4b:s6+s3], $0x80, v3, vm0, $0xb8;
	[tilespmem:$0x19900] =	vst v63  }
0x15e: {  	v3 =	vld [tilespmem:$0x40];
	_ =	sdelay $0x4  }
0x15f: {  	v48 =	vperm.xlane v3, v0;
	_ =	sdelay $0x1  }
0x160: {  	v3 =	vperm.xlane v3, v2;
	v4 =	vadd.s32 v1, v48;
	_ =	sdelay $0x1  }
0x161: {  	v3 =	vadd.s32 v1, v3;
	_ =	sdelay $0x1  }
0x162: {  	s22 =	simm.s32 $0x8100  }
0x163: {  	[tilespmem:s22], [sflag:$0x2] =	stream.indirect_vreg.gather [hbm4b:s4+s3], $0x80, v4, vm0, $0xb8;
	[tilespmem:$0x19900] =	vst v63  }
0x164: {  	s23 =	simm.s32 $0x8D00  }
0x165: {  	[tilespmem:s23], [sflag:$0x2] =	stream.indirect_vreg.gather [hbm4b:s4+s3], $0x80, v3, vm0, $0xb8;
	[tilespmem:$0x19900] =	vst v63  }
0x166: {  	v3 =	vld [tilespmem:$0x50];
	_ =	sdelay $0x4  }
0x167: {  	v49 =	vperm.xlane v3, v0;
	_ =	sdelay $0x1  }
0x168: {  	v3 =	vperm.xlane v3, v2;
	v4 =	vadd.s32 v1, v49;
	_ =	sdelay $0x1  }
0x169: {  	v3 =	vadd.s32 v1, v3;
	_ =	sdelay $0x1  }
0x16a: {  	s21 =	simm.s32 $0x9900  }
0x16b: {  	[tilespmem:s21], [sflag:$0x2] =	stream.indirect_vreg.gather [hbm4b:s4+s3], $0x80, v4, vm0, $0xb8;
	[tilespmem:$0x19900] =	vst v63  }
0x16c: {  	s22 =	simm.s32 $0xA500  }
0x16d: {  	[tilespmem:s22], [sflag:$0x2] =	stream.indirect_vreg.gather [hbm4b:s4+s3], $0x80, v3, vm0, $0xb8;
	[tilespmem:$0x19900] =	vst v63  }
0x16e: {  	v3 =	vld [tilespmem:$0x60];
	_ =	sdelay $0x4  }
0x16f: {  	v50 =	vperm.xlane v3, v0;
	_ =	sdelay $0x1  }
0x170: {  	v3 =	vperm.xlane v3, v2;
	v4 =	vadd.s32 v1, v50;
	_ =	sdelay $0x1  }
0x171: {  	v3 =	vadd.s32 v1, v3;
	_ =	sdelay $0x1  }
0x172: {  	s23 =	simm.s32 $0xB100  }
0x173: {  	[tilespmem:s23], [sflag:$0x2] =	stream.indirect_vreg.gather [hbm4b:s4+s3], $0x80, v4, vm0, $0xb8;
	[tilespmem:$0x19900] =	vst v63  }
0x174: {  	s21 =	simm.s32 $0xBD00  }
0x175: {  	[tilespmem:s21], [sflag:$0x2] =	stream.indirect_vreg.gather [hbm4b:s4+s3], $0x80, v3, vm0, $0xb8;
	[tilespmem:$0x19900] =	vst v63  }
0x176: {  	v3 =	vld [tilespmem:$0x70];
	_ =	sdelay $0x4  }
0x177: {  	v51 =	vperm.xlane v3, v0;
	_ =	sdelay $0x1  }
0x178: {  	v3 =	vperm.xlane v3, v2;
	v4 =	vadd.s32 v1, v51;
	_ =	sdelay $0x1  }
0x179: {  	v3 =	vadd.s32 v1, v3;
	_ =	sdelay $0x1  }
0x17a: {  	s22 =	simm.s32 $0xC900  }
0x17b: {  	[tilespmem:s22], [sflag:$0x2] =	stream.indirect_vreg.gather [hbm4b:s4+s3], $0x80, v4, vm0, $0xb8;
	[tilespmem:$0x19900] =	vst v63  }
0x17c: {  	s23 =	simm.s32 $0xD500  }
0x17d: {  	[tilespmem:s23], [sflag:$0x2] =	stream.indirect_vreg.gather [hbm4b:s4+s3], $0x80, v3, vm0, $0xb8;
	[tilespmem:$0x19900] =	vst v63  }
0x17e: {  	v3 =	vld [tilespmem:$0x80];
	_ =	sdelay $0x4  }
0x17f: {  	v52 =	vshrl.u32 v3, $0x3  }
0x180: {  	v4 =	vmul.u32 $0x18, v52  }
0x181: {  	v3 =	vand.u32 $0x7, v3  }
0x182: {  	v3 =	vor.u32 v3, v4  }
0x183: {  	v4 =	vperm.xlane v3, v0;
	_ =	sdelay $0x1  }
0x184: {  	v3 =	vperm.xlane v3, v2;
	v4 =	vadd.s32 v1, v4;
	_ =	sdelay $0x1  }
0x185: {  	v3 =	vadd.s32 v1, v3;
	_ =	sdelay $0x2  }
0x186: {  	[tilespmem:s31], [sflag:$0x3] =	stream.indirect_vreg.gather [hbm4b:s2+s3], $0x80, v4, vm0, $0xb8;
	[tilespmem:$0x19900] =	vst v63  }
0x187: {  	_ = 	snop  }
0x188: {  	[tilespmem:s1], [sflag:$0x3] =	stream.indirect_vreg.gather [hbm4b:s2+s3], $0x80, v3, vm0, $0xb8;
	[tilespmem:$0x19900] =	vst v63  }
0x189: {  	v3 =	vld [tilespmem:$0x90];
	_ =	sdelay $0x4  }
0x18a: {  	v53 =	vshrl.u32 v3, $0x3  }
0x18b: {  	v4 =	vmul.u32 $0x18, v53  }
0x18c: {  	v3 =	vand.u32 $0x7, v3  }
0x18d: {  	v3 =	vor.u32 v3, v4  }
0x18e: {  	v4 =	vperm.xlane v3, v0;
	_ =	sdelay $0x1  }
0x18f: {  	v3 =	vperm.xlane v3, v2;
	v4 =	vadd.s32 v1, v4;
	_ =	sdelay $0x1  }
0x190: {  	v3 =	vadd.s32 v1, v3;
	_ =	sdelay $0x2  }
0x191: {  	[tilespmem:s0], [sflag:$0x3] =	stream.indirect_vreg.gather [hbm4b:s2+s3], $0x80, v4, vm0, $0xb8;
	[tilespmem:$0x19900] =	vst v63  }
0x192: {  	_ = 	snop  }
0x193: {  	[tilespmem:s5], [sflag:$0x3] =	stream.indirect_vreg.gather [hbm4b:s2+s3], $0x80, v3, vm0, $0xb8;
	[tilespmem:$0x19900] =	vst v63  }
0x194: {  	v3 =	vld [tilespmem:$0xA0];
	_ =	sdelay $0x4  }
0x195: {  	v54 =	vshrl.u32 v3, $0x3  }
0x196: {  	v4 =	vmul.u32 $0x18, v54  }
0x197: {  	v3 =	vand.u32 $0x7, v3  }
0x198: {  	v3 =	vor.u32 v3, v4  }
0x199: {  	v4 =	vperm.xlane v3, v0;
	_ =	sdelay $0x1  }
0x19a: {  	v3 =	vperm.xlane v3, v2;
	v4 =	vadd.s32 v1, v4;
	_ =	sdelay $0x1  }
0x19b: {  	v3 =	vadd.s32 v1, v3;
	_ =	sdelay $0x2  }
0x19c: {  	[tilespmem:s24], [sflag:$0x3] =	stream.indirect_vreg.gather [hbm4b:s2+s3], $0x80, v4, vm0, $0xb8;
	[tilespmem:$0x19900] =	vst v63  }
0x19d: {  	_ = 	snop  }
0x19e: {  	[tilespmem:s25], [sflag:$0x3] =	stream.indirect_vreg.gather [hbm4b:s2+s3], $0x80, v3, vm0, $0xb8;
	[tilespmem:$0x19900] =	vst v63  }
0x19f: {  	v3 =	vld [tilespmem:$0xB0];
	_ =	sdelay $0x4  }
0x1a0: {  	v55 =	vshrl.u32 v3, $0x3  }
0x1a1: {  	v4 =	vmul.u32 $0x18, v55  }
0x1a2: {  	v3 =	vand.u32 $0x7, v3  }
0x1a3: {  	v3 =	vor.u32 v3, v4  }
0x1a4: {  	v4 =	vperm.xlane v3, v0;
	_ =	sdelay $0x1  }
0x1a5: {  	v3 =	vperm.xlane v3, v2;
	v4 =	vadd.s32 v1, v4;
	_ =	sdelay $0x1  }
0x1a6: {  	v3 =	vadd.s32 v1, v3;
	_ =	sdelay $0x2  }
0x1a7: {  	[tilespmem:s26], [sflag:$0x3] =	stream.indirect_vreg.gather [hbm4b:s2+s3], $0x80, v4, vm0, $0xb8;
	[tilespmem:$0x19900] =	vst v63  }
0x1a8: {  	_ = 	snop  }
0x1a9: {  	[tilespmem:s28], [sflag:$0x3] =	stream.indirect_vreg.gather [hbm4b:s2+s3], $0x80, v3, vm0, $0xb8;
	[tilespmem:$0x19900] =	vst v63  }
0x1aa: {  	v3 =	vld [tilespmem:$0x80];
	_ =	sdelay $0x4  }
0x1ab: {  	v56 =	vshrl.u32 v3, $0x3  }
0x1ac: {  	v4 =	vmul.u32 $0x18, v56  }
0x1ad: {  	v3 =	vand.u32 $0x7, v3  }
0x1ae: {  	v3 =	vor.u32 v3, v4  }
0x1af: {  	v4 =	vperm.xlane v3, v0;
	_ =	sdelay $0x1  }
0x1b0: {  	v3 =	vperm.xlane v3, v2;
	v4 =	vadd.s32 v1, v4;
	_ =	sdelay $0x1  }
0x1b1: {  	v3 =	vadd.s32 v1, v3;
	_ =	sdelay $0x1  }
0x1b2: {  	s21 =	simm.s32 $0xDD00  }
0x1b3: {  	[tilespmem:s21], [sflag:$0x3] =	stream.indirect_vreg.gather [hbm4b:s6+s3], $0x80, v4, vm0, $0xb8;
	[tilespmem:$0x19900] =	vst v63  }
0x1b4: {  	s22 =	simm.s32 $0xE900  }
0x1b5: {  	[tilespmem:s22], [sflag:$0x3] =	stream.indirect_vreg.gather [hbm4b:s6+s3], $0x80, v3, vm0, $0xb8;
	[tilespmem:$0x19900] =	vst v63  }
0x1b6: {  	v3 =	vld [tilespmem:$0x90];
	_ =	sdelay $0x4  }
0x1b7: {  	v57 =	vshrl.u32 v3, $0x3  }
0x1b8: {  	v4 =	vmul.u32 $0x18, v57  }
0x1b9: {  	v3 =	vand.u32 $0x7, v3  }
0x1ba: {  	v3 =	vor.u32 v3, v4  }
0x1bb: {  	v4 =	vperm.xlane v3, v0;
	_ =	sdelay $0x1  }
0x1bc: {  	v3 =	vperm.xlane v3, v2;
	v4 =	vadd.s32 v1, v4;
	_ =	sdelay $0x1  }
0x1bd: {  	v3 =	vadd.s32 v1, v3;
	_ =	sdelay $0x1  }
0x1be: {  	s23 =	simm.s32 $0xF500  }
0x1bf: {  	[tilespmem:s23], [sflag:$0x3] =	stream.indirect_vreg.gather [hbm4b:s6+s3], $0x80, v4, vm0, $0xb8;
	[tilespmem:$0x19900] =	vst v63  }
0x1c0: {  	s31 =	simm.s32 $0x10100  }
0x1c1: {  	[tilespmem:s31], [sflag:$0x3] =	stream.indirect_vreg.gather [hbm4b:s6+s3], $0x80, v3, vm0, $0xb8;
	[tilespmem:$0x19900] =	vst v63  }
0x1c2: {  	v3 =	vld [tilespmem:$0xA0];
	_ =	sdelay $0x4  }
0x1c3: {  	v58 =	vshrl.u32 v3, $0x3  }
0x1c4: {  	v4 =	vmul.u32 $0x18, v58  }
0x1c5: {  	v3 =	vand.u32 $0x7, v3  }
0x1c6: {  	v3 =	vor.u32 v3, v4  }
0x1c7: {  	v4 =	vperm.xlane v3, v0;
	_ =	sdelay $0x1  }
0x1c8: {  	v3 =	vperm.xlane v3, v2;
	v4 =	vadd.s32 v1, v4;
	_ =	sdelay $0x1  }
0x1c9: {  	v3 =	vadd.s32 v1, v3;
	_ =	sdelay $0x1  }
0x1ca: {  	s21 =	simm.s32 $0x10D00  }
0x1cb: {  	[tilespmem:s21], [sflag:$0x3] =	stream.indirect_vreg.gather [hbm4b:s6+s3], $0x80, v4, vm0, $0xb8;
	[tilespmem:$0x19900] =	vst v63  }
0x1cc: {  	s22 =	simm.s32 $0x11900  }
0x1cd: {  	[tilespmem:s22], [sflag:$0x3] =	stream.indirect_vreg.gather [hbm4b:s6+s3], $0x80, v3, vm0, $0xb8;
	[tilespmem:$0x19900] =	vst v63  }
0x1ce: {  	v3 =	vld [tilespmem:$0xB0];
	_ =	sdelay $0x4  }
0x1cf: {  	v59 =	vshrl.u32 v3, $0x3  }
0x1d0: {  	v4 =	vmul.u32 $0x18, v59  }
0x1d1: {  	v3 =	vand.u32 $0x7, v3  }
0x1d2: {  	v3 =	vor.u32 v3, v4  }
0x1d3: {  	v4 =	vperm.xlane v3, v0;
	_ =	sdelay $0x1  }
0x1d4: {  	v3 =	vperm.xlane v3, v2;
	v4 =	vadd.s32 v1, v4;
	_ =	sdelay $0x1  }
0x1d5: {  	v3 =	vadd.s32 v1, v3;
	_ =	sdelay $0x1  }
0x1d6: {  	s23 =	simm.s32 $0x12500  }
0x1d7: {  	[tilespmem:s23], [sflag:$0x3] =	stream.indirect_vreg.gather [hbm4b:s6+s3], $0x80, v4, vm0, $0xb8;
	[tilespmem:$0x19900] =	vst v63  }
0x1d8: {  	s31 =	simm.s32 $0x13100  }
0x1d9: {  	[tilespmem:s31], [sflag:$0x3] =	stream.indirect_vreg.gather [hbm4b:s6+s3], $0x80, v3, vm0, $0xb8;
	[tilespmem:$0x19900] =	vst v63  }
0x1da: {  	v3 =	vld [tilespmem:$0x80];
	_ =	sdelay $0x4  }
0x1db: {  	v60 =	vperm.xlane v3, v0;
	_ =	sdelay $0x1  }
0x1dc: {  	v3 =	vperm.xlane v3, v2;
	v4 =	vadd.s32 v1, v60;
	_ =	sdelay $0x1  }
0x1dd: {  	v3 =	vadd.s32 v1, v3;
	_ =	sdelay $0x1  }
0x1de: {  	s21 =	simm.s32 $0xE100  }
0x1df: {  	[tilespmem:s21], [sflag:$0x3] =	stream.indirect_vreg.gather [hbm4b:s4+s3], $0x80, v4, vm0, $0xb8;
	[tilespmem:$0x19900] =	vst v63  }
0x1e0: {  	s22 =	simm.s32 $0xED00  }
0x1e1: {  	[tilespmem:s22], [sflag:$0x3] =	stream.indirect_vreg.gather [hbm4b:s4+s3], $0x80, v3, vm0, $0xb8;
	[tilespmem:$0x19900] =	vst v63  }
0x1e2: {  	v3 =	vld [tilespmem:$0x90];
	_ =	sdelay $0x4  }
0x1e3: {  	v61 =	vperm.xlane v3, v0;
	_ =	sdelay $0x1  }
0x1e4: {  	v3 =	vperm.xlane v3, v2;
	v4 =	vadd.s32 v1, v61;
	_ =	sdelay $0x1  }
0x1e5: {  	v3 =	vadd.s32 v1, v3;
	_ =	sdelay $0x1  }
0x1e6: {  	s23 =	simm.s32 $0xF900  }
0x1e7: {  	[tilespmem:s23], [sflag:$0x3] =	stream.indirect_vreg.gather [hbm4b:s4+s3], $0x80, v4, vm0, $0xb8;
	[tilespmem:$0x19900] =	vst v63  }
0x1e8: {  	s31 =	simm.s32 $0x10500  }
0x1e9: {  	[tilespmem:s31], [sflag:$0x3] =	stream.indirect_vreg.gather [hbm4b:s4+s3], $0x80, v3, vm0, $0xb8;
	[tilespmem:$0x19900] =	vst v63  }
0x1ea: {  	v3 =	vld [tilespmem:$0xA0];
	_ =	sdelay $0x4  }
0x1eb: {  	v62 =	vperm.xlane v3, v0;
	_ =	sdelay $0x1  }
0x1ec: {  	v3 =	vperm.xlane v3, v2;
	v4 =	vadd.s32 v1, v62;
	_ =	sdelay $0x1  }
0x1ed: {  	v3 =	vadd.s32 v1, v3;
	_ =	sdelay $0x1  }
0x1ee: {  	s21 =	simm.s32 $0x11100  }
0x1ef: {  	[tilespmem:s21], [sflag:$0x3] =	stream.indirect_vreg.gather [hbm4b:s4+s3], $0x80, v4, vm0, $0xb8;
	[tilespmem:$0x19900] =	vst v63  }
0x1f0: {  	s22 =	simm.s32 $0x11D00  }
0x1f1: {  	[tilespmem:s22], [sflag:$0x3] =	stream.indirect_vreg.gather [hbm4b:s4+s3], $0x80, v3, vm0, $0xb8;
	[tilespmem:$0x19900] =	vst v63  }
0x1f2: {  	v3 =	vld [tilespmem:$0xB0];
	_ =	sdelay $0x4  }
0x1f3: {  	v63 =	vperm.xlane v3, v0;
	_ =	sdelay $0x1  }
0x1f4: {  	v3 =	vperm.xlane v3, v2;
	v4 =	vadd.s32 v1, v63;
	_ =	sdelay $0x1  }
0x1f5: {  	v3 =	vadd.s32 v1, v3;
	_ =	sdelay $0x1  }
0x1f6: {  	s23 =	simm.s32 $0x12900  }
0x1f7: {  	[tilespmem:s23], [sflag:$0x3] =	stream.indirect_vreg.gather [hbm4b:s4+s3], $0x80, v4, vm0, $0xb8;
	[tilespmem:$0x19900] =	vst v63  }
0x1f8: {  	s31 =	simm.s32 $0x13500;
	s21 =	simm.s32 $0xE0;
	s22 =	simm.s32 $0x0  }
0x1f9: {  	[tilespmem:s31], [sflag:$0x3] =	stream.indirect_vreg.gather [hbm4b:s4+s3], $0x80, v3, vm0, $0xb8;
	[tilespmem:$0x19900] =	vst v63  }
.LBB2_2:
0x1fa: {  	_ =	swait.ge [sflag:s29], $0x2000  }
0x1fb: {  	[sflag:s29] =	ssyncset.done $0x0  }
0x1fc: {  	[sflag:s29] =	ssyncadd.s32 $0xFFFFE000  }
0x1fd: {  	_ =	swait.ge [sflag:s29], $0x2000  }
0x1fe: {  	[sflag:s29] =	ssyncset.done $0x0  }
0x1ff: {  	[sflag:s29] =	ssyncadd.s32 $0xFFFFE000  }
0x200: {  	_ =	swait.ge [sflag:s29], $0x2000  }
0x201: {  	[sflag:s29] =	ssyncset.done $0x0;
	s8 =	rddreg [dreg:$0x5]  }
0x202: {  	s31 =	simm.s32 $0x1900;
	[sflag:s29] =	ssyncadd.s32 $0xFFFFE000;
	s23 =	sadd.s32 s22, s8  }
0x203: {  	[hbm4b:s23+s3] =	stream.linear.scatter [tilespmem:s31], [sflag:$0x5], $0xC00, $0x38;
	[tilespmem:$0x19900] =	vst v63  }
0x204: {  	s8 =	sadd.s32 $0x180, s23;
	s31 =	simm.s32 $0x2500  }
0x205: {  	[hbm4b:s8+s3] =	stream.linear.scatter [tilespmem:s31], [sflag:$0x5], $0xC00, $0x38;
	[tilespmem:$0x19900] =	vst v63  }
0x206: {  	s8 =	sadd.s32 $0x300, s23;
	s31 =	simm.s32 $0x3100  }
0x207: {  	[hbm4b:s8+s3] =	stream.linear.scatter [tilespmem:s31], [sflag:$0x5], $0xC00, $0x38;
	[tilespmem:$0x19900] =	vst v63  }
0x208: {  	s8 =	sadd.s32 $0x480, s23;
	s31 =	simm.s32 $0x3D00  }
0x209: {  	[hbm4b:s8+s3] =	stream.linear.scatter [tilespmem:s31], [sflag:$0x5], $0xC00, $0x38;
	[tilespmem:$0x19900] =	vst v63  }
0x20a: {  	s8 =	sadd.s32 $0x600, s23;
	s31 =	simm.s32 $0x4900  }
0x20b: {  	[hbm4b:s8+s3] =	stream.linear.scatter [tilespmem:s31], [sflag:$0x5], $0xC00, $0x38;
	[tilespmem:$0x19900] =	vst v63  }
0x20c: {  	s8 =	sadd.s32 $0x780, s23;
	s31 =	simm.s32 $0x5500  }
0x20d: {  	[hbm4b:s8+s3] =	stream.linear.scatter [tilespmem:s31], [sflag:$0x5], $0xC00, $0x38;
	[tilespmem:$0x19900] =	vst v63  }
0x20e: {  	s8 =	sadd.s32 $0x900, s23;
	s31 =	simm.s32 $0x6100  }
0x20f: {  	[hbm4b:s8+s3] =	stream.linear.scatter [tilespmem:s31], [sflag:$0x5], $0xC00, $0x38;
	[tilespmem:$0x19900] =	vst v63  }
0x210: {  	p0 =	seq.s32 s22, $0x0;
	s8 =	sadd.s32 $0xA80, s23;
	s31 =	simm.s32 $0x6D00  }
0x211: {  	[hbm4b:s8+s3] =	stream.linear.scatter [tilespmem:s31], [sflag:$0x5], $0xC00, $0x38;
	[tilespmem:$0x19900] =	vst v63  }
0x212: {  	s8 =	simm.s32 @!p0 $0x8  }
0x213: {  	_ =	swait.ge @!p0 [sflag:s8], $0xC00  }
0x214: {  	[sflag:s8] =	ssyncset.done @!p0 $0x0  }
0x215: {  	[sflag:s8] =	ssyncadd.s32 @!p0 $0xFFFFF400  }
0x216: {  	_ =	swait.ge @!p0 [sflag:s8], $0xC00  }
0x217: {  	[sflag:s8] =	ssyncset.done @!p0 $0x0  }
0x218: {  	[sflag:s8] =	ssyncadd.s32 @!p0 $0xFFFFF400  }
0x219: {  	_ =	swait.ge @!p0 [sflag:s8], $0xC00  }
0x21a: {  	[sflag:s8] =	ssyncset.done @!p0 $0x0  }
0x21b: {  	[sflag:s8] =	ssyncadd.s32 @!p0 $0xFFFFF400  }
0x21c: {  	_ =	swait.ge @!p0 [sflag:s8], $0xC00  }
0x21d: {  	[sflag:s8] =	ssyncset.done @!p0 $0x0  }
0x21e: {  	[sflag:s8] =	ssyncadd.s32 @!p0 $0xFFFFF400  }
0x21f: {  	_ =	swait.ge @!p0 [sflag:s8], $0xC00  }
0x220: {  	[sflag:s8] =	ssyncset.done @!p0 $0x0  }
0x221: {  	[sflag:s8] =	ssyncadd.s32 @!p0 $0xFFFFF400  }
0x222: {  	_ =	swait.ge @!p0 [sflag:s8], $0xC00  }
0x223: {  	[sflag:s8] =	ssyncset.done @!p0 $0x0  }
0x224: {  	[sflag:s8] =	ssyncadd.s32 @!p0 $0xFFFFF400  }
0x225: {  	_ =	swait.ge @!p0 [sflag:s8], $0xC00  }
0x226: {  	[sflag:s8] =	ssyncset.done @!p0 $0x0  }
0x227: {  	[sflag:s8] =	ssyncadd.s32 @!p0 $0xFFFFF400  }
0x228: {  	_ =	swait.ge @!p0 [sflag:s8], $0xC00  }
0x229: {  	[sflag:s8] =	ssyncset.done @!p0 $0x0  }
0x22a: {  	[sflag:s8] =	ssyncadd.s32 @!p0 $0xFFFFF400  }
0x22b: {  	v3 =	vld [tilespmem:s21+$0xFFFFFFE0];
	_ =	sdelay $0x4  }
0x22c: {  	v4 =	vshrl.u32 v3, $0x3  }
0x22d: {  	v4 =	vmul.u32 $0x18, v4  }
0x22e: {  	v3 =	vand.u32 $0x7, v3  }
0x22f: {  	v3 =	vor.u32 v3, v4  }
0x230: {  	v4 =	vperm.xlane v3, v0;
	_ =	sdelay $0x1  }
0x231: {  	v3 =	vperm.xlane v3, v2;
	v4 =	vadd.s32 v1, v4;
	_ =	sdelay $0x1  }
0x232: {  	v3 =	vadd.s32 v1, v3;
	_ =	sdelay $0x2  }
0x233: {  	[tilespmem:s30], [sflag:$0x4] =	stream.indirect_vreg.gather [hbm4b:s2+s3], $0x80, v4, vm0, $0xb8;
	[tilespmem:$0x19900] =	vst v63  }
0x234: {  	_ = 	snop  }
0x235: {  	[tilespmem:s10], [sflag:$0x4] =	stream.indirect_vreg.gather [hbm4b:s2+s3], $0x80, v3, vm0, $0xb8;
	[tilespmem:$0x19900] =	vst v63  }
0x236: {  	v3 =	vld [tilespmem:s21+$0xFFFFFFF0];
	_ =	sdelay $0x4  }
0x237: {  	v53 =	vshrl.u32 v3, $0x3  }
0x238: {  	v4 =	vmul.u32 $0x18, v53  }
0x239: {  	v3 =	vand.u32 $0x7, v3  }
0x23a: {  	v3 =	vor.u32 v3, v4  }
0x23b: {  	v4 =	vperm.xlane v3, v0;
	_ =	sdelay $0x1  }
0x23c: {  	v3 =	vperm.xlane v3, v2;
	v4 =	vadd.s32 v1, v4;
	_ =	sdelay $0x1  }
0x23d: {  	v3 =	vadd.s32 v1, v3;
	_ =	sdelay $0x2  }
0x23e: {  	[tilespmem:s11], [sflag:$0x4] =	stream.indirect_vreg.gather [hbm4b:s2+s3], $0x80, v4, vm0, $0xb8;
	[tilespmem:$0x19900] =	vst v63  }
0x23f: {  	_ = 	snop  }
0x240: {  	[tilespmem:s12], [sflag:$0x4] =	stream.indirect_vreg.gather [hbm4b:s2+s3], $0x80, v3, vm0, $0xb8;
	[tilespmem:$0x19900] =	vst v63  }
0x241: {  	v3 =	vld [tilespmem:s21+$0x0];
	_ =	sdelay $0x4  }
0x242: {  	v54 =	vshrl.u32 v3, $0x3  }
0x243: {  	v4 =	vmul.u32 $0x18, v54  }
0x244: {  	v3 =	vand.u32 $0x7, v3  }
0x245: {  	v3 =	vor.u32 v3, v4  }
0x246: {  	v4 =	vperm.xlane v3, v0;
	_ =	sdelay $0x1  }
0x247: {  	v3 =	vperm.xlane v3, v2;
	v4 =	vadd.s32 v1, v4;
	_ =	sdelay $0x1  }
0x248: {  	v3 =	vadd.s32 v1, v3;
	_ =	sdelay $0x2  }
0x249: {  	[tilespmem:s13], [sflag:$0x4] =	stream.indirect_vreg.gather [hbm4b:s2+s3], $0x80, v4, vm0, $0xb8;
	[tilespmem:$0x19900] =	vst v63  }
0x24a: {  	_ = 	snop  }
0x24b: {  	[tilespmem:s14], [sflag:$0x4] =	stream.indirect_vreg.gather [hbm4b:s2+s3], $0x80, v3, vm0, $0xb8;
	[tilespmem:$0x19900] =	vst v63  }
0x24c: {  	v3 =	vld [tilespmem:s21+$0x10];
	_ =	sdelay $0x4  }
0x24d: {  	v55 =	vshrl.u32 v3, $0x3  }
0x24e: {  	v4 =	vmul.u32 $0x18, v55  }
0x24f: {  	v3 =	vand.u32 $0x7, v3  }
0x250: {  	v3 =	vor.u32 v3, v4  }
0x251: {  	v4 =	vperm.xlane v3, v0;
	_ =	sdelay $0x1  }
0x252: {  	v3 =	vperm.xlane v3, v2;
	v4 =	vadd.s32 v1, v4;
	_ =	sdelay $0x1  }
0x253: {  	v3 =	vadd.s32 v1, v3;
	_ =	sdelay $0x2  }
0x254: {  	[tilespmem:s15], [sflag:$0x4] =	stream.indirect_vreg.gather [hbm4b:s2+s3], $0x80, v4, vm0, $0xb8;
	[tilespmem:$0x19900] =	vst v63  }
0x255: {  	_ = 	snop  }
0x256: {  	[tilespmem:s16], [sflag:$0x4] =	stream.indirect_vreg.gather [hbm4b:s2+s3], $0x80, v3, vm0, $0xb8;
	[tilespmem:$0x19900] =	vst v63  }
0x257: {  	v3 =	vld [tilespmem:s21+$0xFFFFFFE0];
	_ =	sdelay $0x4  }
0x258: {  	v56 =	vshrl.u32 v3, $0x3  }
0x259: {  	v4 =	vmul.u32 $0x18, v56  }
0x25a: {  	v3 =	vand.u32 $0x7, v3  }
0x25b: {  	v3 =	vor.u32 v3, v4  }
0x25c: {  	v4 =	vperm.xlane v3, v0;
	_ =	sdelay $0x1  }
0x25d: {  	v3 =	vperm.xlane v3, v2;
	v4 =	vadd.s32 v1, v4;
	_ =	sdelay $0x1  }
0x25e: {  	v3 =	vadd.s32 v1, v3;
	_ =	sdelay $0x1  }
0x25f: {  	s31 =	simm.s32 $0x13D00  }
0x260: {  	[tilespmem:s31], [sflag:$0x4] =	stream.indirect_vreg.gather [hbm4b:s6+s3], $0x80, v4, vm0, $0xb8;
	[tilespmem:$0x19900] =	vst v63  }
0x261: {  	s31 =	simm.s32 $0x14900  }
0x262: {  	[tilespmem:s31], [sflag:$0x4] =	stream.indirect_vreg.gather [hbm4b:s6+s3], $0x80, v3, vm0, $0xb8;
	[tilespmem:$0x19900] =	vst v63  }
0x263: {  	v3 =	vld [tilespmem:s21+$0xFFFFFFF0];
	_ =	sdelay $0x4  }
0x264: {  	v57 =	vshrl.u32 v3, $0x3  }
0x265: {  	v4 =	vmul.u32 $0x18, v57  }
0x266: {  	v3 =	vand.u32 $0x7, v3  }
0x267: {  	v3 =	vor.u32 v3, v4  }
0x268: {  	v4 =	vperm.xlane v3, v0;
	_ =	sdelay $0x1  }
0x269: {  	v3 =	vperm.xlane v3, v2;
	v4 =	vadd.s32 v1, v4;
	_ =	sdelay $0x1  }
0x26a: {  	v3 =	vadd.s32 v1, v3;
	_ =	sdelay $0x1  }
0x26b: {  	s31 =	simm.s32 $0x15500  }
0x26c: {  	[tilespmem:s31], [sflag:$0x4] =	stream.indirect_vreg.gather [hbm4b:s6+s3], $0x80, v4, vm0, $0xb8;
	[tilespmem:$0x19900] =	vst v63  }
0x26d: {  	s31 =	simm.s32 $0x16100  }
0x26e: {  	[tilespmem:s31], [sflag:$0x4] =	stream.indirect_vreg.gather [hbm4b:s6+s3], $0x80, v3, vm0, $0xb8;
	[tilespmem:$0x19900] =	vst v63  }
0x26f: {  	v3 =	vld [tilespmem:s21+$0x0];
	_ =	sdelay $0x4  }
0x270: {  	v58 =	vshrl.u32 v3, $0x3  }
0x271: {  	v4 =	vmul.u32 $0x18, v58  }
0x272: {  	v3 =	vand.u32 $0x7, v3  }
0x273: {  	v3 =	vor.u32 v3, v4  }
0x274: {  	v4 =	vperm.xlane v3, v0;
	_ =	sdelay $0x1  }
0x275: {  	v3 =	vperm.xlane v3, v2;
	v4 =	vadd.s32 v1, v4;
	_ =	sdelay $0x1  }
0x276: {  	v3 =	vadd.s32 v1, v3;
	_ =	sdelay $0x1  }
0x277: {  	s31 =	simm.s32 $0x16D00  }
0x278: {  	[tilespmem:s31], [sflag:$0x4] =	stream.indirect_vreg.gather [hbm4b:s6+s3], $0x80, v4, vm0, $0xb8;
	[tilespmem:$0x19900] =	vst v63  }
0x279: {  	s31 =	simm.s32 $0x17900  }
0x27a: {  	[tilespmem:s31], [sflag:$0x4] =	stream.indirect_vreg.gather [hbm4b:s6+s3], $0x80, v3, vm0, $0xb8;
	[tilespmem:$0x19900] =	vst v63  }
0x27b: {  	v3 =	vld [tilespmem:s21+$0x10];
	_ =	sdelay $0x4  }
0x27c: {  	v59 =	vshrl.u32 v3, $0x3  }
0x27d: {  	v4 =	vmul.u32 $0x18, v59  }
0x27e: {  	v3 =	vand.u32 $0x7, v3  }
0x27f: {  	v3 =	vor.u32 v3, v4  }
0x280: {  	v4 =	vperm.xlane v3, v0;
	_ =	sdelay $0x1  }
0x281: {  	v3 =	vperm.xlane v3, v2;
	v4 =	vadd.s32 v1, v4;
	_ =	sdelay $0x1  }
0x282: {  	v3 =	vadd.s32 v1, v3;
	_ =	sdelay $0x1  }
0x283: {  	s31 =	simm.s32 $0x18500  }
0x284: {  	[tilespmem:s31], [sflag:$0x4] =	stream.indirect_vreg.gather [hbm4b:s6+s3], $0x80, v4, vm0, $0xb8;
	[tilespmem:$0x19900] =	vst v63  }
0x285: {  	s31 =	simm.s32 $0x19100  }
0x286: {  	[tilespmem:s31], [sflag:$0x4] =	stream.indirect_vreg.gather [hbm4b:s6+s3], $0x80, v3, vm0, $0xb8;
	[tilespmem:$0x19900] =	vst v63  }
0x287: {  	v3 =	vld [tilespmem:s21+$0xFFFFFFE0];
	_ =	sdelay $0x4  }
0x288: {  	v60 =	vperm.xlane v3, v0;
	_ =	sdelay $0x1  }
0x289: {  	v3 =	vperm.xlane v3, v2;
	v4 =	vadd.s32 v1, v60;
	_ =	sdelay $0x1  }
0x28a: {  	v3 =	vadd.s32 v1, v3;
	_ =	sdelay $0x1  }
0x28b: {  	s31 =	simm.s32 $0x14100  }
0x28c: {  	[tilespmem:s31], [sflag:$0x4] =	stream.indirect_vreg.gather [hbm4b:s4+s3], $0x80, v4, vm0, $0xb8;
	[tilespmem:$0x19900] =	vst v63  }
0x28d: {  	s31 =	simm.s32 $0x14D00  }
0x28e: {  	[tilespmem:s31], [sflag:$0x4] =	stream.indirect_vreg.gather [hbm4b:s4+s3], $0x80, v3, vm0, $0xb8;
	[tilespmem:$0x19900] =	vst v63  }
0x28f: {  	v3 =	vld [tilespmem:s21+$0xFFFFFFF0];
	_ =	sdelay $0x4  }
0x290: {  	v61 =	vperm.xlane v3, v0;
	_ =	sdelay $0x1  }
0x291: {  	v3 =	vperm.xlane v3, v2;
	v4 =	vadd.s32 v1, v61;
	_ =	sdelay $0x1  }
0x292: {  	v3 =	vadd.s32 v1, v3;
	_ =	sdelay $0x1  }
0x293: {  	s31 =	simm.s32 $0x15900  }
0x294: {  	[tilespmem:s31], [sflag:$0x4] =	stream.indirect_vreg.gather [hbm4b:s4+s3], $0x80, v4, vm0, $0xb8;
	[tilespmem:$0x19900] =	vst v63  }
0x295: {  	s31 =	simm.s32 $0x16500  }
0x296: {  	[tilespmem:s31], [sflag:$0x4] =	stream.indirect_vreg.gather [hbm4b:s4+s3], $0x80, v3, vm0, $0xb8;
	[tilespmem:$0x19900] =	vst v63  }
0x297: {  	v3 =	vld [tilespmem:s21+$0x0];
	_ =	sdelay $0x4  }
0x298: {  	v62 =	vperm.xlane v3, v0;
	_ =	sdelay $0x1  }
0x299: {  	v3 =	vperm.xlane v3, v2;
	v4 =	vadd.s32 v1, v62;
	_ =	sdelay $0x1  }
0x29a: {  	v3 =	vadd.s32 v1, v3;
	_ =	sdelay $0x1  }
0x29b: {  	s31 =	simm.s32 $0x17100  }
0x29c: {  	[tilespmem:s31], [sflag:$0x4] =	stream.indirect_vreg.gather [hbm4b:s4+s3], $0x80, v4, vm0, $0xb8;
	[tilespmem:$0x19900] =	vst v63  }
0x29d: {  	s31 =	simm.s32 $0x17D00  }
0x29e: {  	[tilespmem:s31], [sflag:$0x4] =	stream.indirect_vreg.gather [hbm4b:s4+s3], $0x80, v3, vm0, $0xb8;
	[tilespmem:$0x19900] =	vst v63  }
0x29f: {  	v3 =	vld [tilespmem:s21+$0x10];
	_ =	sdelay $0x4  }
0x2a0: {  	v63 =	vperm.xlane v3, v0;
	_ =	sdelay $0x1  }
0x2a1: {  	v3 =	vperm.xlane v3, v2;
	v4 =	vadd.s32 v1, v63;
	_ =	sdelay $0x1  }
0x2a2: {  	v3 =	vadd.s32 v1, v3;
	_ =	sdelay $0x1  }
0x2a3: {  	s31 =	simm.s32 $0x18900  }
0x2a4: {  	[tilespmem:s31], [sflag:$0x4] =	stream.indirect_vreg.gather [hbm4b:s4+s3], $0x80, v4, vm0, $0xb8;
	[tilespmem:$0x19900] =	vst v63  }
0x2a5: {  	s31 =	simm.s32 $0x19500  }
0x2a6: {  	[tilespmem:s31], [sflag:$0x4] =	stream.indirect_vreg.gather [hbm4b:s4+s3], $0x80, v3, vm0, $0xb8;
	[tilespmem:$0x19900] =	vst v63  }
0x2a7: {  	_ =	swait.ge [sflag:s17], $0x2000  }
0x2a8: {  	[sflag:s17] =	ssyncset.done $0x0  }
0x2a9: {  	[sflag:s17] =	ssyncadd.s32 $0xFFFFE000  }
0x2aa: {  	_ =	swait.ge [sflag:s17], $0x2000  }
0x2ab: {  	[sflag:s17] =	ssyncset.done $0x0  }
0x2ac: {  	[sflag:s17] =	ssyncadd.s32 $0xFFFFE000  }
0x2ad: {  	_ =	swait.ge [sflag:s17], $0x2000  }
0x2ae: {  	[sflag:s17] =	ssyncset.done $0x0  }
0x2af: {  	s8 =	sadd.s32 $0xC00, s23;
	s31 =	simm.s32 $0x7900;
	[sflag:s17] =	ssyncadd.s32 $0xFFFFE000  }
0x2b0: {  	[hbm4b:s8+s3] =	stream.linear.scatter [tilespmem:s31], [sflag:$0x6], $0xC00, $0x38;
	[tilespmem:$0x19900] =	vst v63  }
0x2b1: {  	s8 =	sadd.s32 $0xD80, s23;
	s31 =	simm.s32 $0x8500  }
0x2b2: {  	[hbm4b:s8+s3] =	stream.linear.scatter [tilespmem:s31], [sflag:$0x6], $0xC00, $0x38;
	[tilespmem:$0x19900] =	vst v63  }
0x2b3: {  	s8 =	sadd.s32 $0xF00, s23;
	s31 =	simm.s32 $0x9100  }
0x2b4: {  	[hbm4b:s8+s3] =	stream.linear.scatter [tilespmem:s31], [sflag:$0x6], $0xC00, $0x38;
	[tilespmem:$0x19900] =	vst v63  }
0x2b5: {  	s8 =	sadd.s32 $0x1080, s23;
	s31 =	simm.s32 $0x9D00  }
0x2b6: {  	[hbm4b:s8+s3] =	stream.linear.scatter [tilespmem:s31], [sflag:$0x6], $0xC00, $0x38;
	[tilespmem:$0x19900] =	vst v63  }
0x2b7: {  	s8 =	sadd.s32 $0x1200, s23;
	s31 =	simm.s32 $0xA900  }
0x2b8: {  	[hbm4b:s8+s3] =	stream.linear.scatter [tilespmem:s31], [sflag:$0x6], $0xC00, $0x38;
	[tilespmem:$0x19900] =	vst v63  }
0x2b9: {  	p0 =	seq.s32 s22, $0x48000;
	s8 =	sadd.s32 $0x1380, s23;
	s31 =	simm.s32 $0xB500  }
0x2ba: {  	[hbm4b:s8+s3] =	stream.linear.scatter [tilespmem:s31], [sflag:$0x6], $0xC00, $0x38;
	[tilespmem:$0x19900] =	vst v63  }
.Ltmp2:
0x2bb: {  	_ = 	snop;
	(pc) =	sbr.rel @p0 .LBB2_4-.Ltmp2, $4  }
0x2bc: {  	s8 =	sadd.s32 $0x1500, s23;
	s31 =	simm.s32 $0xC100  }
0x2bd: {  	[hbm4b:s8+s3] =	stream.linear.scatter [tilespmem:s31], [sflag:$0x6], $0xC00, $0x38;
	[tilespmem:$0x19900] =	vst v63  }
0x2be: {  	s8 =	sadd.s32 $0x1680, s23;
	s31 =	simm.s32 $0xCD00  }
0x2bf: {  	[hbm4b:s8+s3] =	stream.linear.scatter [tilespmem:s31], [sflag:$0x6], $0xC00, $0x38;
	[tilespmem:$0x19900] =	vst v63  }
0x2c0: {  	_ =	swait.ge [sflag:s18], $0xC00  }
0x2c1: {  	[sflag:s18] =	ssyncset.done $0x0  }
0x2c2: {  	[sflag:s18] =	ssyncadd.s32 $0xFFFFF400  }
0x2c3: {  	_ =	swait.ge [sflag:s18], $0xC00  }
0x2c4: {  	[sflag:s18] =	ssyncset.done $0x0  }
0x2c5: {  	[sflag:s18] =	ssyncadd.s32 $0xFFFFF400  }
0x2c6: {  	_ =	swait.ge [sflag:s18], $0xC00  }
0x2c7: {  	[sflag:s18] =	ssyncset.done $0x0  }
0x2c8: {  	[sflag:s18] =	ssyncadd.s32 $0xFFFFF400  }
0x2c9: {  	_ =	swait.ge [sflag:s18], $0xC00  }
0x2ca: {  	[sflag:s18] =	ssyncset.done $0x0  }
0x2cb: {  	[sflag:s18] =	ssyncadd.s32 $0xFFFFF400  }
0x2cc: {  	_ =	swait.ge [sflag:s18], $0xC00  }
0x2cd: {  	[sflag:s18] =	ssyncset.done $0x0  }
0x2ce: {  	[sflag:s18] =	ssyncadd.s32 $0xFFFFF400  }
0x2cf: {  	_ =	swait.ge [sflag:s18], $0xC00  }
0x2d0: {  	[sflag:s18] =	ssyncset.done $0x0  }
0x2d1: {  	[sflag:s18] =	ssyncadd.s32 $0xFFFFF400  }
0x2d2: {  	_ =	swait.ge [sflag:s18], $0xC00  }
0x2d3: {  	[sflag:s18] =	ssyncset.done $0x0  }
0x2d4: {  	[sflag:s18] =	ssyncadd.s32 $0xFFFFF400  }
0x2d5: {  	_ =	swait.ge [sflag:s18], $0xC00  }
0x2d6: {  	[sflag:s18] =	ssyncset.done $0x0  }
0x2d7: {  	[sflag:s18] =	ssyncadd.s32 $0xFFFFF400  }
0x2d8: {  	v3 =	vld [tilespmem:s21+$0x20];
	_ =	sdelay $0x4  }
0x2d9: {  	v4 =	vshrl.u32 v3, $0x3  }
0x2da: {  	v4 =	vmul.u32 $0x18, v4  }
0x2db: {  	v3 =	vand.u32 $0x7, v3  }
0x2dc: {  	v3 =	vor.u32 v3, v4  }
0x2dd: {  	v4 =	vperm.xlane v3, v0;
	_ =	sdelay $0x1  }
0x2de: {  	v3 =	vperm.xlane v3, v2;
	v4 =	vadd.s32 v1, v4;
	_ =	sdelay $0x1  }
0x2df: {  	v3 =	vadd.s32 v1, v3;
	_ =	sdelay $0x1  }
0x2e0: {  	s8 =	simm.s32 $0x1900  }
0x2e1: {  	[tilespmem:s8], [sflag:$0x1] =	stream.indirect_vreg.gather [hbm4b:s2+s3], $0x80, v4, vm0, $0xb8;
	[tilespmem:$0x19900] =	vst v63  }
0x2e2: {  	s31 =	simm.s32 $0x2500  }
0x2e3: {  	[tilespmem:s31], [sflag:$0x1] =	stream.indirect_vreg.gather [hbm4b:s2+s3], $0x80, v3, vm0, $0xb8;
	[tilespmem:$0x19900] =	vst v63  }
0x2e4: {  	v3 =	vld [tilespmem:s21+$0x30];
	_ =	sdelay $0x4  }
0x2e5: {  	v53 =	vshrl.u32 v3, $0x3  }
0x2e6: {  	v4 =	vmul.u32 $0x18, v53  }
0x2e7: {  	v3 =	vand.u32 $0x7, v3  }
0x2e8: {  	v3 =	vor.u32 v3, v4  }
0x2e9: {  	v4 =	vperm.xlane v3, v0;
	_ =	sdelay $0x1  }
0x2ea: {  	v3 =	vperm.xlane v3, v2;
	v4 =	vadd.s32 v1, v4;
	_ =	sdelay $0x1  }
0x2eb: {  	v3 =	vadd.s32 v1, v3;
	_ =	sdelay $0x1  }
0x2ec: {  	s31 =	simm.s32 $0x3100  }
0x2ed: {  	[tilespmem:s31], [sflag:$0x1] =	stream.indirect_vreg.gather [hbm4b:s2+s3], $0x80, v4, vm0, $0xb8;
	[tilespmem:$0x19900] =	vst v63  }
0x2ee: {  	s31 =	simm.s32 $0x3D00  }
0x2ef: {  	[tilespmem:s31], [sflag:$0x1] =	stream.indirect_vreg.gather [hbm4b:s2+s3], $0x80, v3, vm0, $0xb8;
	[tilespmem:$0x19900] =	vst v63  }
0x2f0: {  	v3 =	vld [tilespmem:s21+$0x40];
	_ =	sdelay $0x4  }
0x2f1: {  	v54 =	vshrl.u32 v3, $0x3  }
0x2f2: {  	v4 =	vmul.u32 $0x18, v54  }
0x2f3: {  	v3 =	vand.u32 $0x7, v3  }
0x2f4: {  	v3 =	vor.u32 v3, v4  }
0x2f5: {  	v4 =	vperm.xlane v3, v0;
	_ =	sdelay $0x1  }
0x2f6: {  	v3 =	vperm.xlane v3, v2;
	v4 =	vadd.s32 v1, v4;
	_ =	sdelay $0x1  }
0x2f7: {  	v3 =	vadd.s32 v1, v3;
	_ =	sdelay $0x1  }
0x2f8: {  	s31 =	simm.s32 $0x4900  }
0x2f9: {  	[tilespmem:s31], [sflag:$0x1] =	stream.indirect_vreg.gather [hbm4b:s2+s3], $0x80, v4, vm0, $0xb8;
	[tilespmem:$0x19900] =	vst v63  }
0x2fa: {  	s31 =	simm.s32 $0x5500  }
0x2fb: {  	[tilespmem:s31], [sflag:$0x1] =	stream.indirect_vreg.gather [hbm4b:s2+s3], $0x80, v3, vm0, $0xb8;
	[tilespmem:$0x19900] =	vst v63  }
0x2fc: {  	v3 =	vld [tilespmem:s21+$0x50];
	_ =	sdelay $0x4  }
0x2fd: {  	v55 =	vshrl.u32 v3, $0x3  }
0x2fe: {  	v4 =	vmul.u32 $0x18, v55  }
0x2ff: {  	v3 =	vand.u32 $0x7, v3  }
0x300: {  	v3 =	vor.u32 v3, v4  }
0x301: {  	v4 =	vperm.xlane v3, v0;
	_ =	sdelay $0x1  }
0x302: {  	v3 =	vperm.xlane v3, v2;
	v4 =	vadd.s32 v1, v4;
	_ =	sdelay $0x1  }
0x303: {  	v3 =	vadd.s32 v1, v3;
	_ =	sdelay $0x1  }
0x304: {  	s31 =	simm.s32 $0x6100  }
0x305: {  	[tilespmem:s31], [sflag:$0x1] =	stream.indirect_vreg.gather [hbm4b:s2+s3], $0x80, v4, vm0, $0xb8;
	[tilespmem:$0x19900] =	vst v63  }
0x306: {  	s31 =	simm.s32 $0x6D00  }
0x307: {  	[tilespmem:s31], [sflag:$0x1] =	stream.indirect_vreg.gather [hbm4b:s2+s3], $0x80, v3, vm0, $0xb8;
	[tilespmem:$0x19900] =	vst v63  }
0x308: {  	v3 =	vld [tilespmem:s21+$0x20];
	_ =	sdelay $0x4  }
0x309: {  	v56 =	vshrl.u32 v3, $0x3  }
0x30a: {  	v4 =	vmul.u32 $0x18, v56  }
0x30b: {  	v3 =	vand.u32 $0x7, v3  }
0x30c: {  	v3 =	vor.u32 v3, v4  }
0x30d: {  	v4 =	vperm.xlane v3, v0;
	_ =	sdelay $0x1  }
0x30e: {  	v3 =	vperm.xlane v3, v2;
	v4 =	vadd.s32 v1, v4;
	_ =	sdelay $0x1  }
0x30f: {  	v3 =	vadd.s32 v1, v3;
	_ =	sdelay $0x1  }
0x310: {  	s31 =	simm.s32 $0x1D00  }
0x311: {  	[tilespmem:s31], [sflag:$0x1] =	stream.indirect_vreg.gather [hbm4b:s6+s3], $0x80, v4, vm0, $0xb8;
	[tilespmem:$0x19900] =	vst v63  }
0x312: {  	s31 =	simm.s32 $0x2900  }
0x313: {  	[tilespmem:s31], [sflag:$0x1] =	stream.indirect_vreg.gather [hbm4b:s6+s3], $0x80, v3, vm0, $0xb8;
	[tilespmem:$0x19900] =	vst v63  }
0x314: {  	v3 =	vld [tilespmem:s21+$0x30];
	_ =	sdelay $0x4  }
0x315: {  	v57 =	vshrl.u32 v3, $0x3  }
0x316: {  	v4 =	vmul.u32 $0x18, v57  }
0x317: {  	v3 =	vand.u32 $0x7, v3  }
0x318: {  	v3 =	vor.u32 v3, v4  }
0x319: {  	v4 =	vperm.xlane v3, v0;
	_ =	sdelay $0x1  }
0x31a: {  	v3 =	vperm.xlane v3, v2;
	v4 =	vadd.s32 v1, v4;
	_ =	sdelay $0x1  }
0x31b: {  	v3 =	vadd.s32 v1, v3;
	_ =	sdelay $0x1  }
0x31c: {  	s31 =	simm.s32 $0x3500  }
0x31d: {  	[tilespmem:s31], [sflag:$0x1] =	stream.indirect_vreg.gather [hbm4b:s6+s3], $0x80, v4, vm0, $0xb8;
	[tilespmem:$0x19900] =	vst v63  }
0x31e: {  	s31 =	simm.s32 $0x4100  }
0x31f: {  	[tilespmem:s31], [sflag:$0x1] =	stream.indirect_vreg.gather [hbm4b:s6+s3], $0x80, v3, vm0, $0xb8;
	[tilespmem:$0x19900] =	vst v63  }
0x320: {  	v3 =	vld [tilespmem:s21+$0x40];
	_ =	sdelay $0x4  }
0x321: {  	v58 =	vshrl.u32 v3, $0x3  }
0x322: {  	v4 =	vmul.u32 $0x18, v58  }
0x323: {  	v3 =	vand.u32 $0x7, v3  }
0x324: {  	v3 =	vor.u32 v3, v4  }
0x325: {  	v4 =	vperm.xlane v3, v0;
	_ =	sdelay $0x1  }
0x326: {  	v3 =	vperm.xlane v3, v2;
	v4 =	vadd.s32 v1, v4;
	_ =	sdelay $0x1  }
0x327: {  	v3 =	vadd.s32 v1, v3;
	_ =	sdelay $0x1  }
0x328: {  	s31 =	simm.s32 $0x4D00  }
0x329: {  	[tilespmem:s31], [sflag:$0x1] =	stream.indirect_vreg.gather [hbm4b:s6+s3], $0x80, v4, vm0, $0xb8;
	[tilespmem:$0x19900] =	vst v63  }
0x32a: {  	s31 =	simm.s32 $0x5900  }
0x32b: {  	[tilespmem:s31], [sflag:$0x1] =	stream.indirect_vreg.gather [hbm4b:s6+s3], $0x80, v3, vm0, $0xb8;
	[tilespmem:$0x19900] =	vst v63  }
0x32c: {  	v3 =	vld [tilespmem:s21+$0x50];
	_ =	sdelay $0x4  }
0x32d: {  	v59 =	vshrl.u32 v3, $0x3  }
0x32e: {  	v4 =	vmul.u32 $0x18, v59  }
0x32f: {  	v3 =	vand.u32 $0x7, v3  }
0x330: {  	v3 =	vor.u32 v3, v4  }
0x331: {  	v4 =	vperm.xlane v3, v0;
	_ =	sdelay $0x1  }
0x332: {  	v3 =	vperm.xlane v3, v2;
	v4 =	vadd.s32 v1, v4;
	_ =	sdelay $0x1  }
0x333: {  	v3 =	vadd.s32 v1, v3;
	_ =	sdelay $0x1  }
0x334: {  	s31 =	simm.s32 $0x6500  }
0x335: {  	[tilespmem:s31], [sflag:$0x1] =	stream.indirect_vreg.gather [hbm4b:s6+s3], $0x80, v4, vm0, $0xb8;
	[tilespmem:$0x19900] =	vst v63  }
0x336: {  	s31 =	simm.s32 $0x7100  }
0x337: {  	[tilespmem:s31], [sflag:$0x1] =	stream.indirect_vreg.gather [hbm4b:s6+s3], $0x80, v3, vm0, $0xb8;
	[tilespmem:$0x19900] =	vst v63  }
0x338: {  	v3 =	vld [tilespmem:s21+$0x20];
	_ =	sdelay $0x4  }
0x339: {  	v60 =	vperm.xlane v3, v0;
	_ =	sdelay $0x1  }
0x33a: {  	v3 =	vperm.xlane v3, v2;
	v4 =	vadd.s32 v1, v60;
	_ =	sdelay $0x1  }
0x33b: {  	v3 =	vadd.s32 v1, v3;
	_ =	sdelay $0x1  }
0x33c: {  	s31 =	simm.s32 $0x2100  }
0x33d: {  	[tilespmem:s31], [sflag:$0x1] =	stream.indirect_vreg.gather [hbm4b:s4+s3], $0x80, v4, vm0, $0xb8;
	[tilespmem:$0x19900] =	vst v63  }
0x33e: {  	s31 =	simm.s32 $0x2D00  }
0x33f: {  	[tilespmem:s31], [sflag:$0x1] =	stream.indirect_vreg.gather [hbm4b:s4+s3], $0x80, v3, vm0, $0xb8;
	[tilespmem:$0x19900] =	vst v63  }
0x340: {  	v3 =	vld [tilespmem:s21+$0x30];
	_ =	sdelay $0x4  }
0x341: {  	v61 =	vperm.xlane v3, v0;
	_ =	sdelay $0x1  }
0x342: {  	v3 =	vperm.xlane v3, v2;
	v4 =	vadd.s32 v1, v61;
	_ =	sdelay $0x1  }
0x343: {  	v3 =	vadd.s32 v1, v3;
	_ =	sdelay $0x1  }
0x344: {  	s31 =	simm.s32 $0x3900  }
0x345: {  	[tilespmem:s31], [sflag:$0x1] =	stream.indirect_vreg.gather [hbm4b:s4+s3], $0x80, v4, vm0, $0xb8;
	[tilespmem:$0x19900] =	vst v63  }
0x346: {  	s31 =	simm.s32 $0x4500  }
0x347: {  	[tilespmem:s31], [sflag:$0x1] =	stream.indirect_vreg.gather [hbm4b:s4+s3], $0x80, v3, vm0, $0xb8;
	[tilespmem:$0x19900] =	vst v63  }
0x348: {  	v3 =	vld [tilespmem:s21+$0x40];
	_ =	sdelay $0x4  }
0x349: {  	v62 =	vperm.xlane v3, v0;
	_ =	sdelay $0x1  }
0x34a: {  	v3 =	vperm.xlane v3, v2;
	v4 =	vadd.s32 v1, v62;
	_ =	sdelay $0x1  }
0x34b: {  	v3 =	vadd.s32 v1, v3;
	_ =	sdelay $0x1  }
0x34c: {  	s31 =	simm.s32 $0x5100  }
0x34d: {  	[tilespmem:s31], [sflag:$0x1] =	stream.indirect_vreg.gather [hbm4b:s4+s3], $0x80, v4, vm0, $0xb8;
	[tilespmem:$0x19900] =	vst v63  }
0x34e: {  	s31 =	simm.s32 $0x5D00  }
0x34f: {  	[tilespmem:s31], [sflag:$0x1] =	stream.indirect_vreg.gather [hbm4b:s4+s3], $0x80, v3, vm0, $0xb8;
	[tilespmem:$0x19900] =	vst v63  }
0x350: {  	v3 =	vld [tilespmem:s21+$0x50];
	_ =	sdelay $0x4  }
0x351: {  	v63 =	vperm.xlane v3, v0;
	_ =	sdelay $0x1  }
0x352: {  	v3 =	vperm.xlane v3, v2;
	v4 =	vadd.s32 v1, v63;
	_ =	sdelay $0x1  }
0x353: {  	v3 =	vadd.s32 v1, v3;
	_ =	sdelay $0x1  }
0x354: {  	s31 =	simm.s32 $0x6900  }
0x355: {  	[tilespmem:s31], [sflag:$0x1] =	stream.indirect_vreg.gather [hbm4b:s4+s3], $0x80, v4, vm0, $0xb8;
	[tilespmem:$0x19900] =	vst v63  }
0x356: {  	s31 =	simm.s32 $0x7500  }
0x357: {  	[tilespmem:s31], [sflag:$0x1] =	stream.indirect_vreg.gather [hbm4b:s4+s3], $0x80, v3, vm0, $0xb8;
	[tilespmem:$0x19900] =	vst v63  }
.LBB2_4:
0x358: {  	_ =	swait.ge [sflag:s7], $0x2000  }
0x359: {  	[sflag:s7] =	ssyncset.done $0x0  }
0x35a: {  	[sflag:s7] =	ssyncadd.s32 $0xFFFFE000  }
0x35b: {  	_ =	swait.ge [sflag:s7], $0x2000  }
0x35c: {  	[sflag:s7] =	ssyncset.done $0x0  }
0x35d: {  	[sflag:s7] =	ssyncadd.s32 $0xFFFFE000  }
0x35e: {  	_ =	swait.ge [sflag:s7], $0x2000  }
0x35f: {  	[sflag:s7] =	ssyncset.done $0x0  }
0x360: {  	s8 =	sadd.s32 $0x1800, s23;
	s31 =	simm.s32 $0xD900;
	[sflag:s7] =	ssyncadd.s32 $0xFFFFE000  }
0x361: {  	[hbm4b:s8+s3] =	stream.linear.scatter [tilespmem:s31], [sflag:$0x7], $0xC00, $0x38;
	[tilespmem:$0x19900] =	vst v63  }
0x362: {  	s8 =	sadd.s32 $0x1980, s23  }
0x363: {  	[hbm4b:s8+s3] =	stream.linear.scatter [tilespmem:s1], [sflag:$0x7], $0xC00, $0x38;
	[tilespmem:$0x19900] =	vst v63  }
0x364: {  	s8 =	sadd.s32 $0x1B00, s23  }
0x365: {  	[hbm4b:s8+s3] =	stream.linear.scatter [tilespmem:s0], [sflag:$0x7], $0xC00, $0x38;
	[tilespmem:$0x19900] =	vst v63  }
0x366: {  	s8 =	sadd.s32 $0x1C80, s23  }
0x367: {  	[hbm4b:s8+s3] =	stream.linear.scatter [tilespmem:s5], [sflag:$0x7], $0xC00, $0x38;
	[tilespmem:$0x19900] =	vst v63  }
0x368: {  	s8 =	sadd.s32 $0x1E00, s23  }
0x369: {  	[hbm4b:s8+s3] =	stream.linear.scatter [tilespmem:s24], [sflag:$0x7], $0xC00, $0x38;
	[tilespmem:$0x19900] =	vst v63  }
0x36a: {  	s8 =	sadd.s32 $0x1F80, s23  }
0x36b: {  	[hbm4b:s8+s3] =	stream.linear.scatter [tilespmem:s25], [sflag:$0x7], $0xC00, $0x38;
	[tilespmem:$0x19900] =	vst v63  }
.Ltmp3:
0x36c: {  	_ = 	snop;
	(pc) =	sbr.rel @p0 .LBB2_6-.Ltmp3, $4  }
0x36d: {  	s8 =	sadd.s32 $0x2100, s23  }
0x36e: {  	[hbm4b:s8+s3] =	stream.linear.scatter [tilespmem:s26], [sflag:$0x7], $0xC00, $0x38;
	[tilespmem:$0x19900] =	vst v63  }
0x36f: {  	s8 =	sadd.s32 $0x2280, s23  }
0x370: {  	[hbm4b:s8+s3] =	stream.linear.scatter [tilespmem:s28], [sflag:$0x7], $0xC00, $0x38;
	[tilespmem:$0x19900] =	vst v63  }
0x371: {  	_ =	swait.ge [sflag:s19], $0xC00  }
0x372: {  	[sflag:s19] =	ssyncset.done $0x0  }
0x373: {  	[sflag:s19] =	ssyncadd.s32 $0xFFFFF400  }
0x374: {  	_ =	swait.ge [sflag:s19], $0xC00  }
0x375: {  	[sflag:s19] =	ssyncset.done $0x0  }
0x376: {  	[sflag:s19] =	ssyncadd.s32 $0xFFFFF400  }
0x377: {  	_ =	swait.ge [sflag:s19], $0xC00  }
0x378: {  	[sflag:s19] =	ssyncset.done $0x0  }
0x379: {  	[sflag:s19] =	ssyncadd.s32 $0xFFFFF400  }
0x37a: {  	_ =	swait.ge [sflag:s19], $0xC00  }
0x37b: {  	[sflag:s19] =	ssyncset.done $0x0  }
0x37c: {  	[sflag:s19] =	ssyncadd.s32 $0xFFFFF400  }
0x37d: {  	_ =	swait.ge [sflag:s19], $0xC00  }
0x37e: {  	[sflag:s19] =	ssyncset.done $0x0  }
0x37f: {  	[sflag:s19] =	ssyncadd.s32 $0xFFFFF400  }
0x380: {  	_ =	swait.ge [sflag:s19], $0xC00  }
0x381: {  	[sflag:s19] =	ssyncset.done $0x0  }
0x382: {  	[sflag:s19] =	ssyncadd.s32 $0xFFFFF400  }
0x383: {  	_ =	swait.ge [sflag:s19], $0xC00  }
0x384: {  	[sflag:s19] =	ssyncset.done $0x0  }
0x385: {  	[sflag:s19] =	ssyncadd.s32 $0xFFFFF400  }
0x386: {  	_ =	swait.ge [sflag:s19], $0xC00  }
0x387: {  	[sflag:s19] =	ssyncset.done $0x0  }
0x388: {  	[sflag:s19] =	ssyncadd.s32 $0xFFFFF400  }
0x389: {  	v3 =	vld [tilespmem:s21+$0x60];
	_ =	sdelay $0x4  }
0x38a: {  	v4 =	vshrl.u32 v3, $0x3  }
0x38b: {  	v4 =	vmul.u32 $0x18, v4  }
0x38c: {  	v3 =	vand.u32 $0x7, v3  }
0x38d: {  	v3 =	vor.u32 v3, v4  }
0x38e: {  	v4 =	vperm.xlane v3, v0;
	_ =	sdelay $0x1  }
0x38f: {  	v3 =	vperm.xlane v3, v2;
	v4 =	vadd.s32 v1, v4;
	_ =	sdelay $0x1  }
0x390: {  	v3 =	vadd.s32 v1, v3;
	_ =	sdelay $0x1  }
0x391: {  	s8 =	simm.s32 $0x7900  }
0x392: {  	[tilespmem:s8], [sflag:$0x2] =	stream.indirect_vreg.gather [hbm4b:s2+s3], $0x80, v4, vm0, $0xb8;
	[tilespmem:$0x19900] =	vst v63  }
0x393: {  	s8 =	simm.s32 $0x8500  }
0x394: {  	[tilespmem:s8], [sflag:$0x2] =	stream.indirect_vreg.gather [hbm4b:s2+s3], $0x80, v3, vm0, $0xb8;
	[tilespmem:$0x19900] =	vst v63  }
0x395: {  	v3 =	vld [tilespmem:s21+$0x70];
	_ =	sdelay $0x4  }
0x396: {  	v53 =	vshrl.u32 v3, $0x3  }
0x397: {  	v4 =	vmul.u32 $0x18, v53  }
0x398: {  	v3 =	vand.u32 $0x7, v3  }
0x399: {  	v3 =	vor.u32 v3, v4  }
0x39a: {  	v4 =	vperm.xlane v3, v0;
	_ =	sdelay $0x1  }
0x39b: {  	v3 =	vperm.xlane v3, v2;
	v4 =	vadd.s32 v1, v4;
	_ =	sdelay $0x1  }
0x39c: {  	v3 =	vadd.s32 v1, v3;
	_ =	sdelay $0x1  }
0x39d: {  	s8 =	simm.s32 $0x9100  }
0x39e: {  	[tilespmem:s8], [sflag:$0x2] =	stream.indirect_vreg.gather [hbm4b:s2+s3], $0x80, v4, vm0, $0xb8;
	[tilespmem:$0x19900] =	vst v63  }
0x39f: {  	s8 =	simm.s32 $0x9D00  }
0x3a0: {  	[tilespmem:s8], [sflag:$0x2] =	stream.indirect_vreg.gather [hbm4b:s2+s3], $0x80, v3, vm0, $0xb8;
	[tilespmem:$0x19900] =	vst v63  }
0x3a1: {  	v3 =	vld [tilespmem:s21+$0x80];
	_ =	sdelay $0x4  }
0x3a2: {  	v54 =	vshrl.u32 v3, $0x3  }
0x3a3: {  	v4 =	vmul.u32 $0x18, v54  }
0x3a4: {  	v3 =	vand.u32 $0x7, v3  }
0x3a5: {  	v3 =	vor.u32 v3, v4  }
0x3a6: {  	v4 =	vperm.xlane v3, v0;
	_ =	sdelay $0x1  }
0x3a7: {  	v3 =	vperm.xlane v3, v2;
	v4 =	vadd.s32 v1, v4;
	_ =	sdelay $0x1  }
0x3a8: {  	v3 =	vadd.s32 v1, v3;
	_ =	sdelay $0x1  }
0x3a9: {  	s8 =	simm.s32 $0xA900  }
0x3aa: {  	[tilespmem:s8], [sflag:$0x2] =	stream.indirect_vreg.gather [hbm4b:s2+s3], $0x80, v4, vm0, $0xb8;
	[tilespmem:$0x19900] =	vst v63  }
0x3ab: {  	s8 =	simm.s32 $0xB500  }
0x3ac: {  	[tilespmem:s8], [sflag:$0x2] =	stream.indirect_vreg.gather [hbm4b:s2+s3], $0x80, v3, vm0, $0xb8;
	[tilespmem:$0x19900] =	vst v63  }
0x3ad: {  	v3 =	vld [tilespmem:s21+$0x90];
	_ =	sdelay $0x4  }
0x3ae: {  	v55 =	vshrl.u32 v3, $0x3  }
0x3af: {  	v4 =	vmul.u32 $0x18, v55  }
0x3b0: {  	v3 =	vand.u32 $0x7, v3  }
0x3b1: {  	v3 =	vor.u32 v3, v4  }
0x3b2: {  	v4 =	vperm.xlane v3, v0;
	_ =	sdelay $0x1  }
0x3b3: {  	v3 =	vperm.xlane v3, v2;
	v4 =	vadd.s32 v1, v4;
	_ =	sdelay $0x1  }
0x3b4: {  	v3 =	vadd.s32 v1, v3;
	_ =	sdelay $0x1  }
0x3b5: {  	s8 =	simm.s32 $0xC100  }
0x3b6: {  	[tilespmem:s8], [sflag:$0x2] =	stream.indirect_vreg.gather [hbm4b:s2+s3], $0x80, v4, vm0, $0xb8;
	[tilespmem:$0x19900] =	vst v63  }
0x3b7: {  	s8 =	simm.s32 $0xCD00  }
0x3b8: {  	[tilespmem:s8], [sflag:$0x2] =	stream.indirect_vreg.gather [hbm4b:s2+s3], $0x80, v3, vm0, $0xb8;
	[tilespmem:$0x19900] =	vst v63  }
0x3b9: {  	v3 =	vld [tilespmem:s21+$0x60];
	_ =	sdelay $0x4  }
0x3ba: {  	v56 =	vshrl.u32 v3, $0x3  }
0x3bb: {  	v4 =	vmul.u32 $0x18, v56  }
0x3bc: {  	v3 =	vand.u32 $0x7, v3  }
0x3bd: {  	v3 =	vor.u32 v3, v4  }
0x3be: {  	v4 =	vperm.xlane v3, v0;
	_ =	sdelay $0x1  }
0x3bf: {  	v3 =	vperm.xlane v3, v2;
	v4 =	vadd.s32 v1, v4;
	_ =	sdelay $0x1  }
0x3c0: {  	v3 =	vadd.s32 v1, v3;
	_ =	sdelay $0x1  }
0x3c1: {  	s8 =	simm.s32 $0x7D00  }
0x3c2: {  	[tilespmem:s8], [sflag:$0x2] =	stream.indirect_vreg.gather [hbm4b:s6+s3], $0x80, v4, vm0, $0xb8;
	[tilespmem:$0x19900] =	vst v63  }
0x3c3: {  	s8 =	simm.s32 $0x8900  }
0x3c4: {  	[tilespmem:s8], [sflag:$0x2] =	stream.indirect_vreg.gather [hbm4b:s6+s3], $0x80, v3, vm0, $0xb8;
	[tilespmem:$0x19900] =	vst v63  }
0x3c5: {  	v3 =	vld [tilespmem:s21+$0x70];
	_ =	sdelay $0x4  }
0x3c6: {  	v57 =	vshrl.u32 v3, $0x3  }
0x3c7: {  	v4 =	vmul.u32 $0x18, v57  }
0x3c8: {  	v3 =	vand.u32 $0x7, v3  }
0x3c9: {  	v3 =	vor.u32 v3, v4  }
0x3ca: {  	v4 =	vperm.xlane v3, v0;
	_ =	sdelay $0x1  }
0x3cb: {  	v3 =	vperm.xlane v3, v2;
	v4 =	vadd.s32 v1, v4;
	_ =	sdelay $0x1  }
0x3cc: {  	v3 =	vadd.s32 v1, v3;
	_ =	sdelay $0x1  }
0x3cd: {  	s8 =	simm.s32 $0x9500  }
0x3ce: {  	[tilespmem:s8], [sflag:$0x2] =	stream.indirect_vreg.gather [hbm4b:s6+s3], $0x80, v4, vm0, $0xb8;
	[tilespmem:$0x19900] =	vst v63  }
0x3cf: {  	s8 =	simm.s32 $0xA100  }
0x3d0: {  	[tilespmem:s8], [sflag:$0x2] =	stream.indirect_vreg.gather [hbm4b:s6+s3], $0x80, v3, vm0, $0xb8;
	[tilespmem:$0x19900] =	vst v63  }
0x3d1: {  	v3 =	vld [tilespmem:s21+$0x80];
	_ =	sdelay $0x4  }
0x3d2: {  	v58 =	vshrl.u32 v3, $0x3  }
0x3d3: {  	v4 =	vmul.u32 $0x18, v58  }
0x3d4: {  	v3 =	vand.u32 $0x7, v3  }
0x3d5: {  	v3 =	vor.u32 v3, v4  }
0x3d6: {  	v4 =	vperm.xlane v3, v0;
	_ =	sdelay $0x1  }
0x3d7: {  	v3 =	vperm.xlane v3, v2;
	v4 =	vadd.s32 v1, v4;
	_ =	sdelay $0x1  }
0x3d8: {  	v3 =	vadd.s32 v1, v3;
	_ =	sdelay $0x1  }
0x3d9: {  	s8 =	simm.s32 $0xAD00  }
0x3da: {  	[tilespmem:s8], [sflag:$0x2] =	stream.indirect_vreg.gather [hbm4b:s6+s3], $0x80, v4, vm0, $0xb8;
	[tilespmem:$0x19900] =	vst v63  }
0x3db: {  	s8 =	simm.s32 $0xB900  }
0x3dc: {  	[tilespmem:s8], [sflag:$0x2] =	stream.indirect_vreg.gather [hbm4b:s6+s3], $0x80, v3, vm0, $0xb8;
	[tilespmem:$0x19900] =	vst v63  }
0x3dd: {  	v3 =	vld [tilespmem:s21+$0x90];
	_ =	sdelay $0x4  }
0x3de: {  	v59 =	vshrl.u32 v3, $0x3  }
0x3df: {  	v4 =	vmul.u32 $0x18, v59  }
0x3e0: {  	v3 =	vand.u32 $0x7, v3  }
0x3e1: {  	v3 =	vor.u32 v3, v4  }
0x3e2: {  	v4 =	vperm.xlane v3, v0;
	_ =	sdelay $0x1  }
0x3e3: {  	v3 =	vperm.xlane v3, v2;
	v4 =	vadd.s32 v1, v4;
	_ =	sdelay $0x1  }
0x3e4: {  	v3 =	vadd.s32 v1, v3;
	_ =	sdelay $0x1  }
0x3e5: {  	s8 =	simm.s32 $0xC500  }
0x3e6: {  	[tilespmem:s8], [sflag:$0x2] =	stream.indirect_vreg.gather [hbm4b:s6+s3], $0x80, v4, vm0, $0xb8;
	[tilespmem:$0x19900] =	vst v63  }
0x3e7: {  	s8 =	simm.s32 $0xD100  }
0x3e8: {  	[tilespmem:s8], [sflag:$0x2] =	stream.indirect_vreg.gather [hbm4b:s6+s3], $0x80, v3, vm0, $0xb8;
	[tilespmem:$0x19900] =	vst v63  }
0x3e9: {  	v3 =	vld [tilespmem:s21+$0x60];
	_ =	sdelay $0x4  }
0x3ea: {  	v60 =	vperm.xlane v3, v0;
	_ =	sdelay $0x1  }
0x3eb: {  	v3 =	vperm.xlane v3, v2;
	v4 =	vadd.s32 v1, v60;
	_ =	sdelay $0x1  }
0x3ec: {  	v3 =	vadd.s32 v1, v3;
	_ =	sdelay $0x1  }
0x3ed: {  	s8 =	simm.s32 $0x8100  }
0x3ee: {  	[tilespmem:s8], [sflag:$0x2] =	stream.indirect_vreg.gather [hbm4b:s4+s3], $0x80, v4, vm0, $0xb8;
	[tilespmem:$0x19900] =	vst v63  }
0x3ef: {  	s8 =	simm.s32 $0x8D00  }
0x3f0: {  	[tilespmem:s8], [sflag:$0x2] =	stream.indirect_vreg.gather [hbm4b:s4+s3], $0x80, v3, vm0, $0xb8;
	[tilespmem:$0x19900] =	vst v63  }
0x3f1: {  	v3 =	vld [tilespmem:s21+$0x70];
	_ =	sdelay $0x4  }
0x3f2: {  	v61 =	vperm.xlane v3, v0;
	_ =	sdelay $0x1  }
0x3f3: {  	v3 =	vperm.xlane v3, v2;
	v4 =	vadd.s32 v1, v61;
	_ =	sdelay $0x1  }
0x3f4: {  	v3 =	vadd.s32 v1, v3;
	_ =	sdelay $0x1  }
0x3f5: {  	s8 =	simm.s32 $0x9900  }
0x3f6: {  	[tilespmem:s8], [sflag:$0x2] =	stream.indirect_vreg.gather [hbm4b:s4+s3], $0x80, v4, vm0, $0xb8;
	[tilespmem:$0x19900] =	vst v63  }
0x3f7: {  	s8 =	simm.s32 $0xA500  }
0x3f8: {  	[tilespmem:s8], [sflag:$0x2] =	stream.indirect_vreg.gather [hbm4b:s4+s3], $0x80, v3, vm0, $0xb8;
	[tilespmem:$0x19900] =	vst v63  }
0x3f9: {  	v3 =	vld [tilespmem:s21+$0x80];
	_ =	sdelay $0x4  }
0x3fa: {  	v62 =	vperm.xlane v3, v0;
	_ =	sdelay $0x1  }
0x3fb: {  	v3 =	vperm.xlane v3, v2;
	v4 =	vadd.s32 v1, v62;
	_ =	sdelay $0x1  }
0x3fc: {  	v3 =	vadd.s32 v1, v3;
	_ =	sdelay $0x1  }
0x3fd: {  	s8 =	simm.s32 $0xB100  }
0x3fe: {  	[tilespmem:s8], [sflag:$0x2] =	stream.indirect_vreg.gather [hbm4b:s4+s3], $0x80, v4, vm0, $0xb8;
	[tilespmem:$0x19900] =	vst v63  }
0x3ff: {  	s8 =	simm.s32 $0xBD00  }
0x400: {  	[tilespmem:s8], [sflag:$0x2] =	stream.indirect_vreg.gather [hbm4b:s4+s3], $0x80, v3, vm0, $0xb8;
	[tilespmem:$0x19900] =	vst v63  }
0x401: {  	v3 =	vld [tilespmem:s21+$0x90];
	_ =	sdelay $0x4  }
0x402: {  	v63 =	vperm.xlane v3, v0;
	_ =	sdelay $0x1  }
0x403: {  	v3 =	vperm.xlane v3, v2;
	v4 =	vadd.s32 v1, v63;
	_ =	sdelay $0x1  }
0x404: {  	v3 =	vadd.s32 v1, v3;
	_ =	sdelay $0x1  }
0x405: {  	s8 =	simm.s32 $0xC900  }
0x406: {  	[tilespmem:s8], [sflag:$0x2] =	stream.indirect_vreg.gather [hbm4b:s4+s3], $0x80, v4, vm0, $0xb8;
	[tilespmem:$0x19900] =	vst v63  }
0x407: {  	s8 =	simm.s32 $0xD500  }
0x408: {  	[tilespmem:s8], [sflag:$0x2] =	stream.indirect_vreg.gather [hbm4b:s4+s3], $0x80, v3, vm0, $0xb8;
	[tilespmem:$0x19900] =	vst v63  }
.LBB2_6:
0x409: {  	_ =	swait.ge [sflag:s9], $0x2000  }
0x40a: {  	[sflag:s9] =	ssyncset.done $0x0  }
0x40b: {  	[sflag:s9] =	ssyncadd.s32 $0xFFFFE000  }
0x40c: {  	_ =	swait.ge [sflag:s9], $0x2000  }
0x40d: {  	[sflag:s9] =	ssyncset.done $0x0  }
0x40e: {  	[sflag:s9] =	ssyncadd.s32 $0xFFFFE000  }
0x40f: {  	_ =	swait.ge [sflag:s9], $0x2000  }
0x410: {  	[sflag:s9] =	ssyncset.done $0x0  }
0x411: {  	s8 =	sadd.s32 $0x2400, s23;
	[sflag:s9] =	ssyncadd.s32 $0xFFFFE000  }
0x412: {  	[hbm4b:s8+s3] =	stream.linear.scatter [tilespmem:s30], [sflag:$0x8], $0xC00, $0x38;
	[tilespmem:$0x19900] =	vst v63  }
0x413: {  	s8 =	sadd.s32 $0x2580, s23  }
0x414: {  	[hbm4b:s8+s3] =	stream.linear.scatter [tilespmem:s10], [sflag:$0x8], $0xC00, $0x38;
	[tilespmem:$0x19900] =	vst v63  }
0x415: {  	s8 =	sadd.s32 $0x2700, s23  }
0x416: {  	[hbm4b:s8+s3] =	stream.linear.scatter [tilespmem:s11], [sflag:$0x8], $0xC00, $0x38;
	[tilespmem:$0x19900] =	vst v63  }
0x417: {  	s8 =	sadd.s32 $0x2880, s23  }
0x418: {  	[hbm4b:s8+s3] =	stream.linear.scatter [tilespmem:s12], [sflag:$0x8], $0xC00, $0x38;
	[tilespmem:$0x19900] =	vst v63  }
0x419: {  	s8 =	sadd.s32 $0x2A00, s23  }
0x41a: {  	[hbm4b:s8+s3] =	stream.linear.scatter [tilespmem:s13], [sflag:$0x8], $0xC00, $0x38;
	[tilespmem:$0x19900] =	vst v63  }
0x41b: {  	s8 =	sadd.s32 $0x2B80, s23  }
0x41c: {  	[hbm4b:s8+s3] =	stream.linear.scatter [tilespmem:s14], [sflag:$0x8], $0xC00, $0x38;
	[tilespmem:$0x19900] =	vst v63  }
.Ltmp4:
0x41d: {  	_ = 	snop;
	(pc) =	sbr.rel @p0 .LBB2_8-.Ltmp4, $4  }
0x41e: {  	s8 =	sadd.s32 $0x2D00, s23  }
0x41f: {  	[hbm4b:s8+s3] =	stream.linear.scatter [tilespmem:s15], [sflag:$0x8], $0xC00, $0x38;
	[tilespmem:$0x19900] =	vst v63  }
0x420: {  	s23 =	sadd.s32 $0x2E80, s23  }
0x421: {  	[hbm4b:s23+s3] =	stream.linear.scatter [tilespmem:s16], [sflag:$0x8], $0xC00, $0x38;
	[tilespmem:$0x19900] =	vst v63  }
0x422: {  	_ =	swait.ge [sflag:s20], $0xC00  }
0x423: {  	[sflag:s20] =	ssyncset.done $0x0  }
0x424: {  	[sflag:s20] =	ssyncadd.s32 $0xFFFFF400  }
0x425: {  	_ =	swait.ge [sflag:s20], $0xC00  }
0x426: {  	[sflag:s20] =	ssyncset.done $0x0  }
0x427: {  	[sflag:s20] =	ssyncadd.s32 $0xFFFFF400  }
0x428: {  	_ =	swait.ge [sflag:s20], $0xC00  }
0x429: {  	[sflag:s20] =	ssyncset.done $0x0  }
0x42a: {  	[sflag:s20] =	ssyncadd.s32 $0xFFFFF400  }
0x42b: {  	_ =	swait.ge [sflag:s20], $0xC00  }
0x42c: {  	[sflag:s20] =	ssyncset.done $0x0  }
0x42d: {  	[sflag:s20] =	ssyncadd.s32 $0xFFFFF400  }
0x42e: {  	_ =	swait.ge [sflag:s20], $0xC00  }
0x42f: {  	[sflag:s20] =	ssyncset.done $0x0  }
0x430: {  	[sflag:s20] =	ssyncadd.s32 $0xFFFFF400  }
0x431: {  	_ =	swait.ge [sflag:s20], $0xC00  }
0x432: {  	[sflag:s20] =	ssyncset.done $0x0  }
0x433: {  	[sflag:s20] =	ssyncadd.s32 $0xFFFFF400  }
0x434: {  	_ =	swait.ge [sflag:s20], $0xC00  }
0x435: {  	[sflag:s20] =	ssyncset.done $0x0  }
0x436: {  	[sflag:s20] =	ssyncadd.s32 $0xFFFFF400  }
0x437: {  	_ =	swait.ge [sflag:s20], $0xC00  }
0x438: {  	[sflag:s20] =	ssyncset.done $0x0  }
0x439: {  	[sflag:s20] =	ssyncadd.s32 $0xFFFFF400  }
0x43a: {  	v3 =	vld [tilespmem:s21+$0xA0];
	_ =	sdelay $0x4  }
0x43b: {  	v4 =	vshrl.u32 v3, $0x3  }
0x43c: {  	v4 =	vmul.u32 $0x18, v4  }
0x43d: {  	v3 =	vand.u32 $0x7, v3  }
0x43e: {  	v3 =	vor.u32 v3, v4  }
0x43f: {  	v4 =	vperm.xlane v3, v0;
	_ =	sdelay $0x1  }
0x440: {  	v3 =	vperm.xlane v3, v2;
	v4 =	vadd.s32 v1, v4;
	_ =	sdelay $0x1  }
0x441: {  	v3 =	vadd.s32 v1, v3;
	_ =	sdelay $0x2  }
0x442: {  	[tilespmem:s31], [sflag:$0x3] =	stream.indirect_vreg.gather [hbm4b:s2+s3], $0x80, v4, vm0, $0xb8;
	[tilespmem:$0x19900] =	vst v63  }
0x443: {  	_ = 	snop  }
0x444: {  	[tilespmem:s1], [sflag:$0x3] =	stream.indirect_vreg.gather [hbm4b:s2+s3], $0x80, v3, vm0, $0xb8;
	[tilespmem:$0x19900] =	vst v63  }
0x445: {  	v3 =	vld [tilespmem:s21+$0xB0];
	_ =	sdelay $0x4  }
0x446: {  	v53 =	vshrl.u32 v3, $0x3  }
0x447: {  	v4 =	vmul.u32 $0x18, v53  }
0x448: {  	v3 =	vand.u32 $0x7, v3  }
0x449: {  	v3 =	vor.u32 v3, v4  }
0x44a: {  	v4 =	vperm.xlane v3, v0;
	_ =	sdelay $0x1  }
0x44b: {  	v3 =	vperm.xlane v3, v2;
	v4 =	vadd.s32 v1, v4;
	_ =	sdelay $0x1  }
0x44c: {  	v3 =	vadd.s32 v1, v3;
	_ =	sdelay $0x2  }
0x44d: {  	[tilespmem:s0], [sflag:$0x3] =	stream.indirect_vreg.gather [hbm4b:s2+s3], $0x80, v4, vm0, $0xb8;
	[tilespmem:$0x19900] =	vst v63  }
0x44e: {  	_ = 	snop  }
0x44f: {  	[tilespmem:s5], [sflag:$0x3] =	stream.indirect_vreg.gather [hbm4b:s2+s3], $0x80, v3, vm0, $0xb8;
	[tilespmem:$0x19900] =	vst v63  }
0x450: {  	v3 =	vld [tilespmem:s21+$0xC0];
	_ =	sdelay $0x4  }
0x451: {  	v54 =	vshrl.u32 v3, $0x3  }
0x452: {  	v4 =	vmul.u32 $0x18, v54  }
0x453: {  	v3 =	vand.u32 $0x7, v3  }
0x454: {  	v3 =	vor.u32 v3, v4  }
0x455: {  	v4 =	vperm.xlane v3, v0;
	_ =	sdelay $0x1  }
0x456: {  	v3 =	vperm.xlane v3, v2;
	v4 =	vadd.s32 v1, v4;
	_ =	sdelay $0x1  }
0x457: {  	v3 =	vadd.s32 v1, v3;
	_ =	sdelay $0x2  }
0x458: {  	[tilespmem:s24], [sflag:$0x3] =	stream.indirect_vreg.gather [hbm4b:s2+s3], $0x80, v4, vm0, $0xb8;
	[tilespmem:$0x19900] =	vst v63  }
0x459: {  	_ = 	snop  }
0x45a: {  	[tilespmem:s25], [sflag:$0x3] =	stream.indirect_vreg.gather [hbm4b:s2+s3], $0x80, v3, vm0, $0xb8;
	[tilespmem:$0x19900] =	vst v63  }
0x45b: {  	v3 =	vld [tilespmem:s21+$0xD0];
	_ =	sdelay $0x4  }
0x45c: {  	v55 =	vshrl.u32 v3, $0x3  }
0x45d: {  	v4 =	vmul.u32 $0x18, v55  }
0x45e: {  	v3 =	vand.u32 $0x7, v3  }
0x45f: {  	v3 =	vor.u32 v3, v4  }
0x460: {  	v4 =	vperm.xlane v3, v0;
	_ =	sdelay $0x1  }
0x461: {  	v3 =	vperm.xlane v3, v2;
	v4 =	vadd.s32 v1, v4;
	_ =	sdelay $0x1  }
0x462: {  	v3 =	vadd.s32 v1, v3;
	_ =	sdelay $0x2  }
0x463: {  	[tilespmem:s26], [sflag:$0x3] =	stream.indirect_vreg.gather [hbm4b:s2+s3], $0x80, v4, vm0, $0xb8;
	[tilespmem:$0x19900] =	vst v63  }
0x464: {  	_ = 	snop  }
0x465: {  	[tilespmem:s28], [sflag:$0x3] =	stream.indirect_vreg.gather [hbm4b:s2+s3], $0x80, v3, vm0, $0xb8;
	[tilespmem:$0x19900] =	vst v63  }
0x466: {  	v3 =	vld [tilespmem:s21+$0xA0];
	_ =	sdelay $0x4  }
0x467: {  	v56 =	vshrl.u32 v3, $0x3  }
0x468: {  	v4 =	vmul.u32 $0x18, v56  }
0x469: {  	v3 =	vand.u32 $0x7, v3  }
0x46a: {  	v3 =	vor.u32 v3, v4  }
0x46b: {  	v4 =	vperm.xlane v3, v0;
	_ =	sdelay $0x1  }
0x46c: {  	v3 =	vperm.xlane v3, v2;
	v4 =	vadd.s32 v1, v4;
	_ =	sdelay $0x1  }
0x46d: {  	v3 =	vadd.s32 v1, v3;
	_ =	sdelay $0x1  }
0x46e: {  	s8 =	simm.s32 $0xDD00  }
0x46f: {  	[tilespmem:s8], [sflag:$0x3] =	stream.indirect_vreg.gather [hbm4b:s6+s3], $0x80, v4, vm0, $0xb8;
	[tilespmem:$0x19900] =	vst v63  }
0x470: {  	s31 =	simm.s32 $0xE900  }
0x471: {  	[tilespmem:s31], [sflag:$0x3] =	stream.indirect_vreg.gather [hbm4b:s6+s3], $0x80, v3, vm0, $0xb8;
	[tilespmem:$0x19900] =	vst v63  }
0x472: {  	v3 =	vld [tilespmem:s21+$0xB0];
	_ =	sdelay $0x4  }
0x473: {  	v57 =	vshrl.u32 v3, $0x3  }
0x474: {  	v4 =	vmul.u32 $0x18, v57  }
0x475: {  	v3 =	vand.u32 $0x7, v3  }
0x476: {  	v3 =	vor.u32 v3, v4  }
0x477: {  	v4 =	vperm.xlane v3, v0;
	_ =	sdelay $0x1  }
0x478: {  	v3 =	vperm.xlane v3, v2;
	v4 =	vadd.s32 v1, v4;
	_ =	sdelay $0x1  }
0x479: {  	v3 =	vadd.s32 v1, v3;
	_ =	sdelay $0x1  }
0x47a: {  	s23 =	simm.s32 $0xF500  }
0x47b: {  	[tilespmem:s23], [sflag:$0x3] =	stream.indirect_vreg.gather [hbm4b:s6+s3], $0x80, v4, vm0, $0xb8;
	[tilespmem:$0x19900] =	vst v63  }
0x47c: {  	s31 =	simm.s32 $0x10100  }
0x47d: {  	[tilespmem:s31], [sflag:$0x3] =	stream.indirect_vreg.gather [hbm4b:s6+s3], $0x80, v3, vm0, $0xb8;
	[tilespmem:$0x19900] =	vst v63  }
0x47e: {  	v3 =	vld [tilespmem:s21+$0xC0];
	_ =	sdelay $0x4  }
0x47f: {  	v58 =	vshrl.u32 v3, $0x3  }
0x480: {  	v4 =	vmul.u32 $0x18, v58  }
0x481: {  	v3 =	vand.u32 $0x7, v3  }
0x482: {  	v3 =	vor.u32 v3, v4  }
0x483: {  	v4 =	vperm.xlane v3, v0;
	_ =	sdelay $0x1  }
0x484: {  	v3 =	vperm.xlane v3, v2;
	v4 =	vadd.s32 v1, v4;
	_ =	sdelay $0x1  }
0x485: {  	v3 =	vadd.s32 v1, v3;
	_ =	sdelay $0x1  }
0x486: {  	s23 =	simm.s32 $0x10D00  }
0x487: {  	[tilespmem:s23], [sflag:$0x3] =	stream.indirect_vreg.gather [hbm4b:s6+s3], $0x80, v4, vm0, $0xb8;
	[tilespmem:$0x19900] =	vst v63  }
0x488: {  	s31 =	simm.s32 $0x11900  }
0x489: {  	[tilespmem:s31], [sflag:$0x3] =	stream.indirect_vreg.gather [hbm4b:s6+s3], $0x80, v3, vm0, $0xb8;
	[tilespmem:$0x19900] =	vst v63  }
0x48a: {  	v3 =	vld [tilespmem:s21+$0xD0];
	_ =	sdelay $0x4  }
0x48b: {  	v59 =	vshrl.u32 v3, $0x3  }
0x48c: {  	v4 =	vmul.u32 $0x18, v59  }
0x48d: {  	v3 =	vand.u32 $0x7, v3  }
0x48e: {  	v3 =	vor.u32 v3, v4  }
0x48f: {  	v4 =	vperm.xlane v3, v0;
	_ =	sdelay $0x1  }
0x490: {  	v3 =	vperm.xlane v3, v2;
	v4 =	vadd.s32 v1, v4;
	_ =	sdelay $0x1  }
0x491: {  	v3 =	vadd.s32 v1, v3;
	_ =	sdelay $0x1  }
0x492: {  	s23 =	simm.s32 $0x12500  }
0x493: {  	[tilespmem:s23], [sflag:$0x3] =	stream.indirect_vreg.gather [hbm4b:s6+s3], $0x80, v4, vm0, $0xb8;
	[tilespmem:$0x19900] =	vst v63  }
0x494: {  	s31 =	simm.s32 $0x13100  }
0x495: {  	[tilespmem:s31], [sflag:$0x3] =	stream.indirect_vreg.gather [hbm4b:s6+s3], $0x80, v3, vm0, $0xb8;
	[tilespmem:$0x19900] =	vst v63  }
0x496: {  	v3 =	vld [tilespmem:s21+$0xA0];
	_ =	sdelay $0x4  }
0x497: {  	v60 =	vperm.xlane v3, v0;
	_ =	sdelay $0x1  }
0x498: {  	v3 =	vperm.xlane v3, v2;
	v4 =	vadd.s32 v1, v60;
	_ =	sdelay $0x1  }
0x499: {  	v3 =	vadd.s32 v1, v3;
	_ =	sdelay $0x1  }
0x49a: {  	s23 =	simm.s32 $0xE100  }
0x49b: {  	[tilespmem:s23], [sflag:$0x3] =	stream.indirect_vreg.gather [hbm4b:s4+s3], $0x80, v4, vm0, $0xb8;
	[tilespmem:$0x19900] =	vst v63  }
0x49c: {  	s31 =	simm.s32 $0xED00  }
0x49d: {  	[tilespmem:s31], [sflag:$0x3] =	stream.indirect_vreg.gather [hbm4b:s4+s3], $0x80, v3, vm0, $0xb8;
	[tilespmem:$0x19900] =	vst v63  }
0x49e: {  	v3 =	vld [tilespmem:s21+$0xB0];
	_ =	sdelay $0x4  }
0x49f: {  	v61 =	vperm.xlane v3, v0;
	_ =	sdelay $0x1  }
0x4a0: {  	v3 =	vperm.xlane v3, v2;
	v4 =	vadd.s32 v1, v61;
	_ =	sdelay $0x1  }
0x4a1: {  	v3 =	vadd.s32 v1, v3;
	_ =	sdelay $0x1  }
0x4a2: {  	s23 =	simm.s32 $0xF900  }
0x4a3: {  	[tilespmem:s23], [sflag:$0x3] =	stream.indirect_vreg.gather [hbm4b:s4+s3], $0x80, v4, vm0, $0xb8;
	[tilespmem:$0x19900] =	vst v63  }
0x4a4: {  	s31 =	simm.s32 $0x10500  }
0x4a5: {  	[tilespmem:s31], [sflag:$0x3] =	stream.indirect_vreg.gather [hbm4b:s4+s3], $0x80, v3, vm0, $0xb8;
	[tilespmem:$0x19900] =	vst v63  }
0x4a6: {  	v3 =	vld [tilespmem:s21+$0xC0];
	_ =	sdelay $0x4  }
0x4a7: {  	v62 =	vperm.xlane v3, v0;
	_ =	sdelay $0x1  }
0x4a8: {  	v3 =	vperm.xlane v3, v2;
	v4 =	vadd.s32 v1, v62;
	_ =	sdelay $0x1  }
0x4a9: {  	v3 =	vadd.s32 v1, v3;
	_ =	sdelay $0x1  }
0x4aa: {  	s23 =	simm.s32 $0x11100  }
0x4ab: {  	[tilespmem:s23], [sflag:$0x3] =	stream.indirect_vreg.gather [hbm4b:s4+s3], $0x80, v4, vm0, $0xb8;
	[tilespmem:$0x19900] =	vst v63  }
0x4ac: {  	s31 =	simm.s32 $0x11D00  }
0x4ad: {  	[tilespmem:s31], [sflag:$0x3] =	stream.indirect_vreg.gather [hbm4b:s4+s3], $0x80, v3, vm0, $0xb8;
	[tilespmem:$0x19900] =	vst v63  }
0x4ae: {  	v3 =	vld [tilespmem:s21+$0xD0];
	_ =	sdelay $0x4  }
0x4af: {  	v63 =	vperm.xlane v3, v0;
	_ =	sdelay $0x1  }
0x4b0: {  	v3 =	vperm.xlane v3, v2;
	v4 =	vadd.s32 v1, v63;
	_ =	sdelay $0x1  }
0x4b1: {  	v3 =	vadd.s32 v1, v3  }
.Ltmp5:
0x4b2: {  	_ = 	snop;
	(pc) =	sbr.rel .LBB2_2-.Ltmp5, $4  }
0x4b3: {  	s23 =	simm.s32 $0x12900  }
0x4b4: {  	[tilespmem:s23], [sflag:$0x3] =	stream.indirect_vreg.gather [hbm4b:s4+s3], $0x80, v4, vm0, $0xb8;
	[tilespmem:$0x19900] =	vst v63  }
0x4b5: {  	s22 =	sadd.s32 $0x3000, s22;
	s31 =	simm.s32 $0x13500;
	s21 =	sadd.s32 $0x100, s21  }
0x4b6: {  	[tilespmem:s31], [sflag:$0x3] =	stream.indirect_vreg.gather [hbm4b:s4+s3], $0x80, v3, vm0, $0xb8;
	[tilespmem:$0x19900] =	vst v63  }
.LBB2_9:
0x4b7: {  	_ =	sfence.sel $0x180000  }
0x4b8: {  	[bflag:$0x0] =	sbarrier.arrive $0xFFFF  }
0x4b9: {  	_ =	strace $0x90000047  }
0x4ba: {  	s0 =	stileid.u32;
	[bflag:$0x2] =	sbarrier.arrive $0xFFFF  }
0x4bb: {  	p0 =	sne.s32 s0, $0x0;
	s0 =	rddreg [dreg:$0x2]  }
0x4bc: {  	s0 =	sadd.s32 @!p0 $0x100000, s0  }
0x4bd: {  	[sflag:s0] =	ssyncadd.tile.s32 @!p0 $0x1;
	_ =	shalt  }
.Lfunc_end2:
_tile_overlayer_lowered:
.L_overlay_start_2:
0x4be: {  	(tag) =	ssettag $0x2  }
0x4bf: {  	s0 =	rddreg [dreg:$0x0];
	s2 =	stileid.u32  }
0x4c0: {  	s1 =	rddreg [dreg:$0x1];
	p0 =	sne.s32 s2, $0x0  }
0x4c1: {  	s3 =	rddreg [dreg:$0x2];
	[bflag:$0x3] =	sbarrier.arrive $0xFFFF;
	s2 =	simm.s32 @!p0 $0x1C09  }
0x4c2: {  	[timem:s3], [sflag:s2] =	dma.local @!p0 [hbm:s0], s1  }
0x4c3: {  	s0 =	simm.s32 @!p0 $0x9  }
0x4c4: {  	_ =	swait.ge @!p0 [sflag:s0], s1  }
0x4c5: {  	s1 =	ssub.s32 @!p0 $0x0, s1;
	[sflag:s0] =	ssyncset.done @!p0 $0x0  }
0x4c6: {  	[sflag:s0] =	ssyncadd.s32 @!p0 s1  }
0x4c7: {  	[bflag:$0x3] =	sbarrier.arrive $0xFFFF  }
0x4c8: {  	_ =	shalt  }

// kernel: sparse-core-data-format-call.cloned.1.call-start
scs
called_computation_lowered:
.L_overlay_start_0:
0x0: {  	s2 =	sld [smem:$0x3FD9]  }
0x1: {  	s3 =	sld [smem:$0x3FFE];
	_ =	sdelay $0x1  }
0x2: {  	s1 =	srdreg.scid  }
0x3: {  	s0 =	sand.u32 $0x1, s1  }
0x4: {  	s18 =	sshll.u32 s0, $0xA;
	s2 =	sadd.s32 s3, s2  }
0x5: {  	s2 =	sadd.s32 s2, s18  }
0x6: {  	[smem:$0x3FC6] =	sst s2  }
0x7: {  	_ = 	snop  }
0x8: {  	s2 =	sld [smem:$0x3FD0];
	(tm) =	ssettm $0x1  }
0x9: {  	s19 =	sld [smem:$0x3FFB];
	_ =	sdelay $0x3  }
0xa: {  	_ =	strace s19  }
0xb: {  	s3 =	sld [smem:$0x3FFC];
	_ =	sdelay $0x3  }
0xc: {  	_ =	strace s3  }
0xd: {  	s3 =	sld [smem:$0x3FFD];
	_ =	sdelay $0x3  }
0xe: {  	_ =	strace s3  }
0xf: {  	_ =	strace $0x8FFFFFFF  }
0x10: {  	s20 =	sld [smem:$0x3FDB];
	_ =	sdelay $0x1  }
0x11: {  	s4 =	simm.s32 $_scs_section_size  }
0x12: {  	s5 =	simm.s32 $_size__tile_overlayer_lowered;
	s6 =	simm.s32 $_tile_overlayer_lowered  }
0x13: {  	s23 =	simm.s32 $0x1BFF;
	s22 =	sshll.u32 s6, $0x1;
	s3 =	sadd.s32 s4, s20  }
0x14: {  	s7 =	simm.s32 $0x0;
	s21 =	sshll.u32 s5, $0x1;
	s5 =	sadd.s32 s22, s3  }
0x15: {  	[timem:s7], [sflag:s23] =	dma.local [hbm:s5], s21  }
0x16: {  	_ =	swait.ge [sflag:s23], s21  }
0x17: {  	s4 =	ssub.s32 $0x0, s21;
	[sflag:s23] =	ssyncset.done $0x0  }
0x18: {  	[sflag:s23] =	ssyncadd.s32 s4;
	_ =	sdelay $0x1  }
0x19: {  	s24 =	simm.s32 $0x1B8B  }
0x1a: {  	_ =	swait.ge [sflag:s24], $0x1  }
0x1b: {  	[sflag:s24] =	ssyncset.done $0x0  }
0x1c: {  	s26 =	simm.s32 $0x1B8E;
	s25 =	sld [smem:$0x3FFE];
	[sflag:s24] =	ssyncadd.s32 $0xFFFFFFFF  }
0x1d: {  	s27 =	simm.s32 $execute0_lowered;
	[smem:$0x3FD2] =	sst s26  }
0x1e: {  	s5 =	sshll.u32 s27, $0x1;
	_ =	strace $0x80000049;
	[dreg:$0x1] =	wrdreg $0xFFFFFFFF  }
0x1f: {  	s28 =	simm.s32 $_size_execute0_lowered;
	s3 =	sadd.s32 s3, s5;
	[dreg:$0x0] =	wrdreg $0x0  }
0x20: {  	s5 =	sshll.u32 s28, $0x1;
	[dreg:$0x2] =	wrdreg s3  }
0x21: {  	[dreg:$0x3] =	wrdreg s5  }
0x22: {  	[dreg:$0x4] =	wrdreg $0xC0  }
0x23: {  	_ =	task [dreg:s7], $0x5FFFF  }
0x24: {  	[dreg:$0x1] =	wrdreg $0xFFFFFFFF  }
0x25: {  	[dreg:$0x0] =	wrdreg $0x60  }
0x26: {  	[dreg:$0x2] =	wrdreg s25  }
0x27: {  	[dreg:$0x3] =	wrdreg s2  }
0x28: {  	[dreg:$0x4] =	wrdreg $0x9  }
0x29: {  	_ =	task.clear_ibuf [dreg:s7], $0x5FFFF;
	_ =	strace $0x90000049  }
0x2a: {  	s29 =	simm.s32 $0x9;
	_ =	strace $0x8000004B  }
0x2b: {  	_ =	swait.ge [sflag:s29], $0x1  }
0x2c: {  	[sflag:s29] =	ssyncadd.s32 $0xFFFFFFFF  }
0x2d: {  	_ =	strace $0x9000004B  }
0x2e: {  	_ =	sfence  }
0x2f: {  	s30 =	sld [smem:$0x0];
	_ =	sdelay $0x2  }
0x30: {  	s31 =	sshll.u32 s1, $0xD;
	s1 =	sshrl.u32 s1, $0x2  }
0x31: {  	s3 =	sand.u32 $0x4000, s31;
	s1 =	sadd.s32 s1, s30  }
0x32: {  	s0 =	sor.u32 s3, s0;
	s1 =	sshll.u32 s1, $0x11  }
0x33: {  	s0 =	sor.u32 s1, s0  }
0x34: {  	s0 =	sadd.s32 $0x8F2B, s0  }
0x35: {  	[sflag:s0] =	ssyncadd.remote.s32 $0x1  }
0x36: {  	_ =	sfence.sel $0xFFFF  }
0x37: {  	[dreg:$0x0] =	wrdreg $0xFFFFFFFF;
	(pc) =	sbr.abs _section_cstart, $3  }
0x38: {  	[dreg:$0x1] =	wrdreg $0xFFFFFFFF  }
0x39: {  	_ =	task.clear_ibuf [dreg:s7], $0x2FFFF;
	_ =	strace $0x9FFFFFFF  }
0x3a: {  	(tm) =	ssettm $0x7FFFFFFF  }
0x3b: {  	_ =	shalt  }
tec
execute0_lowered:
.L_overlay_start_1:
0x0: {  	(tag) =	ssettag $0x1  }
0x1: {  	s4 =	rddreg [dreg:$0x0]  }
0x2: {  	s0 =	stileid.u32;
	s2 =	rddreg [dreg:$0x1]  }
0x3: {  	s7 =	srdreg.scid;
	s8 =	simm.s32 $0x2;
	s17 =	simm.s32 $0x0  }
0x4: {  	s9 =	simm.s32 $0x32000;
	s19 =	simm.s32 $0x0;
	s18 =	simm.s32 $0x0  }
0x5: {  	s10 =	simm.s32 $0x0;
	s11 =	simm.s32 $0x0;
	s1 =	sshll.u32 s0, $0x7  }
0x6: {  	s12 =	simm.s32 $0x0;
	s13 =	simm.s32 $0x0;
	s3 =	sand.u32 $0x380, s1  }
0x7: {  	s16 =	simm.s32 $0x0;
	s7 =	sshll.u32 s7, $0x4;
	s5 =	ssub.s32 $0x400, s3  }
0x8: {  	s4 =	sadd.s32 $0x2BC000, s4;
	s1 =	rddreg [dreg:$0x2];
	s6 =	sand.u32 $0x380, s5  }
0x9: {  	s7 =	sand.u32 $0x10, s7;
	p0 =	sne.s32 s6, $0x0;
	s6 =	simm.s32 $0x1  }
.Ltmp0:
0xa: {  	s5 =	sshrl.u32 s5, $0xA;
	s6 =	simm.s32 @!p0 $0x0;
	(pc) =	sbr.rel .LBB1_1-.Ltmp0, $4  }
0xb: {  	_ =	strace $0x8000004A;
	s7 =	sor.u32 s0, s7;
	s6 =	sadd.s32 s6, s5  }
0xc: {  	s7 =	sshrl.u32 s7, $0x3;
	s5 =	simm.s32 $0x1;
	s6 =	smul.u32 $0x96, s6  }
0xd: {  	s15 =	smov.u32 s3;
	s14 =	smov.u32 s7;
	[sflag:s5] =	ssyncpa.u1 $0x0  }
0xe: {  	p0 =	por $0x0, $0x0;
	[sflag:s8] =	ssyncpa.u1 $0x0;
	s8 =	sor.u32 $0x1, s6  }
.LBB1_4:
0xf: {  	s25 =	sshll.u32 s11, $0xA;
	s26 =	sshll.u32 s12, $0x3;
	s24 =	sshra.s32 s24, $0x2  }
0x10: {  	p1 =	sgt.s32 s10, $0xAC;
	s27 =	sshra.s32 s11, $0x1F;
	s28 =	sshra.s32 s10, $0x1F  }
0x11: {  	s29 =	sshra.s32 s12, $0x1F;
	s25 =	sand.u32 $0xFFFFE000, s25;
	s26 =	sand.u32 $0xFFFFFC00, s26  }
0x12: {  	s23 =	sadd.s32 s24, s23;
	s27 =	sand.u32 s27, s11;
	s25 =	sadd.s32 s26, s25  }
0x13: {  	s28 =	sand.u32 s28, s10;
	s24 =	sshrl.u32 s25, $0xA;
	s25 =	smov.u32 s10  }
0x14: {  	s26 =	smov.u32 s11;
	s25 =	simm.s32 @!p1 $0xAC;
	p1 =	sgt.s32 s11, $0xC7  }
0x15: {  	[tilespmem:s22+$0x2040 ss:$0x81] =	vst.msk $0xffff, v4;
	s29 =	sand.u32 s29, s12;
	s30 =	smulhi.u32 $0x147AE15, s24;
	s26 =	simm.s32 @!p1 $0xC7  }
0x16: {  	v5 =	vld [tilespmem:s21+$0xFFFFFFD0];
	[tilespmem:s22+$0x2850 ss:$0x81] =	vst.msk $0xffff, v3;
	p1 =	sgt.s32 s12, $0x380;
	s25 =	ssub.s32 s25, s28;
	s26 =	ssub.s32 s26, s27  }
0x17: {  	v58 =	vld [tilespmem:s21+$0xFFFFFFE0];
	[tilespmem:s22+$0x3060 ss:$0x81] =	vst.msk $0xffff, v2;
	s27 =	smov.u32 s12;
	s28 =	sadd.s32 $0xFFFFFF54, s25;
	s25 =	ssub.s32 $0x12C, s25  }
0x18: {  	v59 =	vld [tilespmem:s21+$0xFFFFFFF0];
	[tilespmem:s22+$0x0 ss:$0x81] =	vst.msk $0xffff, v1;
	s27 =	simm.s32 @!p1 $0x380;
	s31 =	sadd.s32 $0xFFFFFF39, s26;
	s22 =	ssub.s32 $0xC8, s26  }
0x19: {  	v60 =	vld [tilespmem:s21+$0x0];
	s27 =	ssub.s32 s27, s29;
	p1 =	sgt.s32 s31, $0x0;
	s29 =	smul.u32 $0xC8, s30  }
0x1a: {  	v61 =	vld [tilespmem:s21+$0x10];
	[tilespmem:s23+$0x3870 ss:$0x81] =	vst.msk $0xffff, v0;
	s30 =	sshll.u32 s11, $0x7;
	s31 =	sadd.s32 $0xFFFFFC80, s27;
	s26 =	ssub.s32 $0x400, s27  }
0x1b: {  	v62 =	vld [tilespmem:s21+$0x20];
	[tilespmem:s23+$0x810 ss:$0x81] =	vst.msk $0xffff, v5;
	s22 =	simm.s32 @p1 $0x0;
	p1 =	sgt.s32 s28, $0x7F;
	p2 =	sgt.s32 s31, $0x7F  }
0x1c: {  	v63 =	vld [tilespmem:s21+$0xFFFFFFC0];
	[tilespmem:s23+$0x1020 ss:$0x81] =	vst.msk $0xffff, v58;
	s27 =	sand.u32 $0x78, s12;
	s31 =	smul.u32 $0x6400, s10;
	s26 =	simm.s32 @p2 $0x0  }
0x1d: {  	[tilespmem:s23+$0x1830 ss:$0x81] =	vst.msk $0xffff, v59;
	s21 =	sand.u32 $0x380, s30;
	s25 =	simm.s32 @p1 $0x0;
	s22 =	smul.u32 s26, s22  }
0x1e: {  	[tilespmem:s23+$0x2040 ss:$0x81] =	vst.msk $0xffff, v60;
	s21 =	sor.u32 s27, s21;
	s24 =	ssub.s32 s24, s29;
	s29 =	sand.u32 $0x7, s12  }
0x1f: {  	[tilespmem:s23+$0x2850 ss:$0x81] =	vst.msk $0xffff, v61;
	s21 =	sshrl.u32 s21, $0x3;
	s28 =	sadd.s32 s2, s31;
	s22 =	smul.u32 s25, s22  }
0x20: {  	[tilespmem:s23+$0x3060 ss:$0x81] =	vst.msk $0xffff, v62;
	s24 =	sshll.u32 s24, $0x7;
	s30 =	sshll.u32 s29, $0x12;
	s21 =	sadd.s32 s21, s28  }
0x21: {  	[tilespmem:s23+$0x0 ss:$0x81] =	vst.msk $0xffff, v63;
	s31 =	sor.u32 $0x80, s30;
	s21 =	sadd.s32 s24, s21;
	s22 =	sand.u32 $0x3FFFFFFF, s22  }
0x22: {  	[hbm4b:s21+s31] =	stream.strided.scatter [tilespmem:s20], [sflag:$0x2], s22, s9, s31, $0x20;
	[tilespmem:$0x10100] =	vst v63  }
.LBB1_5:
0x23: {  	p1 =	slt.u32 s16, $0x2;
	s21 =	smov.u32 s19  }
0x24: {  	p2 =	sgt.s32 @!p1 s17, $0xAC;
	s20 =	sshra.s32 @!p1 s17, $0x1F;
	p3 =	sgt.s32 @!p1 s19, $0xC7  }
0x25: {  	s22 =	sshra.s32 @!p1 s19, $0x1F;
	p2 =	por !p2, p1;
	s20 =	sand.u32 @!p1 s20, s17  }
0x26: {  	p3 =	por !p3, p1;
	s19 =	sand.u32 @!p1 s22, s19;
	s22 =	sshra.s32 @!p1 s18, $0x1F  }
0x27: {  	s21 =	simm.s32 @p3 $0xC7;
	p3 =	sgt.s32 @!p1 s18, $0x380;
	s17 =	simm.s32 @p2 $0xAC  }
0x28: {  	s19 =	ssub.s32 @!p1 s21, s19;
	p3 =	por !p3, p1;
	s21 =	smov.u32 s18  }
0x29: {  	s18 =	sand.u32 @!p1 s22, s18;
	s17 =	ssub.s32 @!p1 s17, s20;
	s21 =	simm.s32 @p3 $0x380  }
0x2a: {  	s20 =	sadd.s32 @!p1 $0xFFFFFF39, s19;
	s19 =	ssub.s32 @!p1 $0xC8, s19;
	s18 =	ssub.s32 @!p1 s21, s18  }
0x2b: {  	s21 =	sadd.s32 @!p1 $0xFFFFFF54, s17;
	p2 =	sgt.s32 @!p1 s20, $0x0;
	s20 =	sadd.s32 @!p1 $0xFFFFFC80, s18  }
0x2c: {  	s17 =	ssub.s32 @!p1 $0x12C, s17;
	p2 =	por !p2, p1;
	p3 =	sgt.s32 @!p1 s20, $0x7F  }
0x2d: {  	s18 =	ssub.s32 @!p1 $0x400, s18;
	s19 =	simm.s32 @!p2 $0x0;
	p2 =	por !p3, p1  }
0x2e: {  	s20 =	sadd.s32 $0x80, s13;
	p3 =	sgt.s32 @!p1 s21, $0x7F;
	s18 =	simm.s32 @!p2 $0x0  }
0x2f: {  	s21 =	smov.u32 s14;
	p2 =	por !p3, p1;
	s18 =	smul.u32 @!p1 s18, s19  }
0x30: {  	s17 =	simm.s32 @!p2 $0x0;
	p2 =	sgt.s32 s20, $0x12B;
	s19 =	sadd.s32 $0x4, s14  }
0x31: {  	s22 =	smov.u32 s15;
	s21 =	smov.u32 @p2 s19  }
0x32: {  	s17 =	smul.u32 @!p1 s17, s18;
	p3 =	sgt.s32 s21, $0xC7;
	s18 =	sadd.s32 $0x400, s15  }
0x33: {  	p0 =	por !p0, !p0;
	s23 =	simm.s32 @!p1 $0x2;
	s22 =	smov.u32 @p3 s18  }
0x34: {  	s20 =	simm.s32 @p2 $0x0;
	s19 =	smov.u32 s11;
	p2 =	sgt.s32 s22, $0x3FF  }
0x35: {  	s11 =	smov.u32 s14;
	s22 =	smov.u32 @p2 s3;
	p2 =	sne.s32 s16, s8  }
.Ltmp1:
0x36: {  	s21 =	smov.u32 @p3 s7;
	s18 =	smov.u32 s12;
	(pc) =	sbr.rel @!p2 .LBB1_6-.Ltmp1, $4  }
0x37: {  	s12 =	smov.u32 s15;
	s17 =	sand.u32 @!p1 $0x3FFFFFFF, s17;
	s14 =	smov.u32 s21  }
0x38: {  	_ =	swait.ge @!p1 [sflag:s23], s17;
	s24 =	ssub.s32 @!p1 $0x0, s17;
	s17 =	smov.u32 s10  }
0x39: {  	s16 =	sadd.s32 $0x1, s16;
	s10 =	smov.u32 s13;
	[sflag:s23] =	ssyncset.done @!p1 $0x0  }
0x3a: {  	s13 =	smov.u32 s20;
	s15 =	smov.u32 s22;
	[sflag:s23] =	ssyncadd.s32 @!p1 s24  }
.LBB1_1:
0x3b: {  	p1 =	sge.u32 s16, s6  }
0x3c: {  	s20 =	sshrl.u32 @!p1 s14, $0x3  }
0x3d: {  	s21 =	sshll.u32 @!p1 s13, $0x3;
	s20 =	smul.u32 @!p1 $0xC00, s20  }
0x3e: {  	s22 =	sshll.u32 @!p1 s14, $0x7;
	s21 =	sand.u32 @!p1 $0xFFFFFC00, s21  }
0x3f: {  	s20 =	sadd.s32 @!p1 s20, s21;
	s21 =	sand.u32 @!p1 $0x380, s22  }
0x40: {  	s20 =	sor.u32 @!p1 s21, s20  }
0x41: {  	s21 =	sand.u32 @!p1 $0x7F, s13;
	s22 =	smulhi.u32 @!p1 $0xAAAAAAAB, s20  }
0x42: {  	s20 =	sor.u32 @!p1 s21, s20  }
0x43: {  	s21 =	smulhi.u32 @!p1 $0xAAAAAAAB, s20;
	s22 =	sshrl.u32 @!p1 s22, $0x8  }
0x44: {  	s23 =	smulhi.u32 @!p1 $0x147AE15, s22;
	_ =	sdelay $0x1  }
0x45: {  	s21 =	sshrl.u32 @!p1 s21, $0x8;
	s23 =	smul.u32 @!p1 $0xC8, s23  }
0x46: {  	s31 =	sadd.s32 $0xFFFFFFFF, s16;
	s21 =	smul.u32 @!p1 $0x180, s21  }
0x47: {  	s24 =	sxor.u32 @!p1 $0xFFFFFFFF, s16;
	s22 =	ssub.s32 @!p1 s22, s23;
	s23 =	smul.u32 @!p1 $0x2580, s15  }
0x48: {  	s24 =	sshll.u32 @!p1 s24, $0xE;
	s20 =	ssub.s32 @!p1 s20, s21;
	s21 =	smul.u32 @!p1 $0x30, s22  }
0x49: {  	s22 =	sand.u32 @!p1 $0x4000, s24;
	s24 =	sand.u32 @!p1 $0x7, s20;
	s23 =	sadd.s32 @!p1 s4, s23  }
0x4a: {  	s20 =	sshrl.u32 @!p1 s20, $0x3;
	s21 =	sadd.s32 @!p1 s21, s23;
	s23 =	sshll.u32 @!p1 s24, $0x12  }
0x4b: {  	s20 =	sadd.s32 @!p1 s20, s21;
	s21 =	sor.u32 @!p1 $0x80, s23;
	s23 =	simm.s32 @!p1 $0x12C00  }
0x4c: {  	[tilespmem:s22], [sflag:$0x1] =	stream.strided.gather @!p1 [hbm4b:s20+s21], $0x4000, s23, s21, $0x38;
	[tilespmem:$0x10100] =	vst v63  }
0x4d: {  	p1 =	sge.u32 s31, s6  }
.Ltmp2:
0x4e: {  	_ = 	snop;
	(pc) =	sbr.rel @p1 .LBB1_5-.Ltmp2, $1  }
0x4f: {  	_ =	sdelay $0x3  }
0x50: {  	s20 =	simm.s32 $0x1  }
0x51: {  	_ =	swait.ge [sflag:s5], $0x4000;
	s20 =	simm.s32 @!p0 $0x0  }
0x52: {  	[sflag:s5] =	ssyncset.done $0x0;
	s21 =	sshll.u32 s20, $0xE  }
0x53: {  	[sflag:s5] =	ssyncadd.s32 $0xFFFFC000;
	s21 =	sor.u32 $0x40, s21  }
0x54: {  	s20 =	smul.u32 $0x10200, s20;
	v0 =	vld [tilespmem:s21+$0x30]  }
0x55: {  	v1 =	vld [tilespmem:s21+$0xFFFFFFD0]  }
0x56: {  	s20 =	sshrl.u32 s20, $0x2;
	v5 =	vld [tilespmem:s21+$0xFFFFFFE0]  }
0x57: {  	v6 =	vld [tilespmem:s21+$0xFFFFFFF0];
	s23 =	sor.u32 $0x8000, s20  }
0x58: {  	s31 =	sand.u32 $0x1, s16;
	v4 =	vld [tilespmem:s21+$0x0];
	s22 =	sadd.s32 $0x0, s23  }
0x59: {  	v3 =	vld [tilespmem:s21+$0x10];
	s20 =	smul.u32 $0x10200, s31;
	[tilespmem:s22+$0x3870 ss:$0x81] =	vst.msk $0xffff, v0  }
0x5a: {  	v2 =	vld [tilespmem:s21+$0x20];
	[tilespmem:s22+$0x810 ss:$0x81] =	vst.msk $0xffff, v1  }
0x5b: {  	s20 =	sshrl.u32 s20, $0x2;
	v1 =	vld [tilespmem:s21+$0xFFFFFFC0];
	[tilespmem:s22+$0x1020 ss:$0x81] =	vst.msk $0xffff, v5;
	s21 =	sadd.s32 $0x80, s21  }
0x5c: {  	s24 =	simm.s32 $0x4;
	s25 =	simm.s32 $0x8;
	s20 =	sor.u32 $0x8000, s20;
	[tilespmem:s22+$0x1830 ss:$0x81] =	vst.msk $0xffff, v6;
	v0 =	vld [tilespmem:s21+$0x30]  }
.LBB1_3:
0x5d: {  	p1 =	sne.s32 s25, $0x1FC;
	v5 =	vld [tilespmem:s21+$0xFFFFFFD0];
	[tilespmem:s22+$0x2040 ss:$0x81] =	vst.msk $0xffff, v4  }
0x5e: {  	v6 =	vld [tilespmem:s21+$0xFFFFFFE0];
	[tilespmem:s22+$0x2850 ss:$0x81] =	vst.msk $0xffff, v3  }
0x5f: {  	s26 =	sshra.s32 s24, $0x2;
	s24 =	smov.u32 s25;
	v7 =	vld [tilespmem:s21+$0xFFFFFFF0];
	[tilespmem:s22+$0x3060 ss:$0x81] =	vst.msk $0xffff, v2  }
.Ltmp3:
0x60: {  	v4 =	vld [tilespmem:s21+$0x0];
	[tilespmem:s22+$0x0 ss:$0x81] =	vst.msk $0xffff, v1;
	s22 =	sadd.s32 s26, s23;
	(pc) =	sbr.rel @p1 .LBB1_3-.Ltmp3, $4  }
0x61: {  	v3 =	vld [tilespmem:s21+$0x10];
	[tilespmem:s22+$0x3870 ss:$0x81] =	vst.msk $0xffff, v0  }
0x62: {  	[tilespmem:s22+$0x810 ss:$0x81] =	vst.msk $0xffff, v5;
	v2 =	vld [tilespmem:s21+$0x20]  }
0x63: {  	v1 =	vld [tilespmem:s21+$0xFFFFFFC0];
	[tilespmem:s22+$0x1020 ss:$0x81] =	vst.msk $0xffff, v6;
	s21 =	sadd.s32 $0x80, s21  }
0x64: {  	s25 =	sadd.s32 $0x4, s25;
	v0 =	vld [tilespmem:s21+$0x30];
	[tilespmem:s22+$0x1830 ss:$0x81] =	vst.msk $0xffff, v7  }
.Ltmp4:
0x65: {  	_ = 	snop;
	(pc) =	sbr.rel .LBB1_4-.Ltmp4, $1  }
0x66: {  	_ =	sdelay $0x3  }
.LBB1_6:
0x67: {  	_ =	sfence.sel $0x180000  }
0x68: {  	s2 =	simm.s32 $0x1;
	[bflag:$0x0] =	sbarrier.arrive $0xFFFF  }
0x69: {  	s31 =	simm.s32 $0x2;
	[sflag:s2] =	ssyncpa.u1 $0x1  }
0x6a: {  	[sflag:s31] =	ssyncpa.u1 $0x1  }
0x6b: {  	p0 =	sne.s32 s0, $0x0;
	_ =	strace $0x9000004A  }
0x6c: {  	s0 =	sadd.s32 @!p0 $0x100000, s1;
	[bflag:$0x2] =	sbarrier.arrive $0xFFFF  }
0x6d: {  	[sflag:s0] =	ssyncadd.tile.s32 @!p0 $0x1;
	_ =	shalt  }
.Lfunc_end1:
_tile_overlayer_lowered:
.L_overlay_start_2:
0x6e: {  	(tag) =	ssettag $0x2  }
0x6f: {  	s0 =	rddreg [dreg:$0x0];
	s2 =	stileid.u32  }
0x70: {  	s1 =	rddreg [dreg:$0x1];
	p0 =	sne.s32 s2, $0x0  }
0x71: {  	s3 =	rddreg [dreg:$0x2];
	[bflag:$0x3] =	sbarrier.arrive $0xFFFF;
	s2 =	simm.s32 @!p0 $0x1C01  }
0x72: {  	[timem:s3], [sflag:s2] =	dma.local @!p0 [hbm:s0], s1  }
0x73: {  	s0 =	simm.s32 @!p0 $0x1  }
0x74: {  	_ =	swait.ge @!p0 [sflag:s0], s1  }
0x75: {  	s1 =	ssub.s32 @!p0 $0x0, s1;
	[sflag:s0] =	ssyncset.done @!p0 $0x0  }
0x76: {  	[sflag:s0] =	ssyncadd.s32 @!p0 s1  }
0x77: {  	[bflag:$0x3] =	sbarrier.arrive $0xFFFF  }
0x78: {  	_ =	shalt  }

</sc_bundles>
